<compile_context>
chip_gen: v7x
topology: tpu7x:2x2x1
jax: 0.10.2.dev20260603
libtpu: 0.0.44.dev20260713+nightly
codegen_flags: <defaults>
</compile_context>

<pallas_src>
import functools

import jax
import jax.numpy as jnp
from jax import lax
from jax.experimental import pallas as pl
from jax.experimental.pallas import tpu as pltpu
from jax.experimental.pallas import tpu_sc as plsc

_L = 16


def _make_sc_combine(N, K, D, rows_per_step, n_workers):
    rpw = N // n_workers
    R = rows_per_step
    nsteps = rpw // R
    ngroups = nsteps // 2
    nchunks = D // _L

    mesh = plsc.VectorSubcoreMesh(core_axis_name="c", subcore_axis_name="s")
    info = plsc.get_sparse_core_info()
    nc = info.num_cores

    @functools.partial(
        pl.kernel,
        mesh=mesh,
        out_type=jax.ShapeDtypeStruct((N, D), jnp.float32),
        scratch_types=[
            pltpu.VMEM((rpw * K * _L,), jnp.float32),
            pltpu.VMEM((R, K, D), jnp.float32),
            pltpu.VMEM((R, K, D), jnp.float32),
            pltpu.VMEM((R, D), jnp.float32),
            pltpu.VMEM((R, D), jnp.float32),
            pltpu.SemaphoreType.DMA,
            pltpu.SemaphoreType.DMA,
            pltpu.SemaphoreType.DMA,
            pltpu.SemaphoreType.DMA,
        ],
    )
    def sc_combine(x_hbm, w_hbm, out_hbm, w_v, in0, in1, o0, o1,
                   si0, si1, so0, so1):
        wid = lax.axis_index("s") * nc + lax.axis_index("c")
        base = wid * rpw

        pltpu.sync_copy(w_hbm.at[pl.ds(base * K * _L, rpw * K * _L)], w_v)

        def start_in(step, buf, sem):
            pltpu.async_copy(x_hbm.at[pl.ds(base + step * R, R)], buf, sem)

        def start_out(step, buf, sem):
            pltpu.async_copy(buf, out_hbm.at[pl.ds(base + step * R, R)], sem)

        start_in(0, in0, si0)
        start_in(1, in1, si1)

        bufs = ((in0, o0, si0, so0), (in1, o1, si1, so1))

        def group(g, carry):
            for b in range(2):
                ib, ob, isem, osem = bufs[b]
                step = g * 2 + b
                pltpu.make_async_copy(
                    x_hbm.at[pl.ds(0, R)], ib, isem).wait()

                @pl.when(g > 0)
                def _drain_out():
                    pltpu.make_async_copy(
                        ob, out_hbm.at[pl.ds(0, R)], osem).wait()

                w_row = step * R
                ws = [(w_v[pl.ds((w_row + r) * K * _L, _L)],
                       w_v[pl.ds((w_row + r) * K * _L + _L, _L)])
                      for r in range(R)]

                @plsc.parallel_loop(0, D, step=_L, unroll=2)
                def _chunk(off):
                    for r in range(R):
                        x0 = ib[r, 0, pl.ds(off, _L)]
                        x1 = ib[r, 1, pl.ds(off, _L)]
                        ob[r, pl.ds(off, _L)] = x0 * ws[r][0] + x1 * ws[r][1]

                start_out(step, ob, osem)

                @pl.when(g < ngroups - 1)
                def _prefetch_in():
                    start_in(step + 2, ib, isem)

            return carry

        lax.fori_loop(0, ngroups, group, None, unroll=False)

        pltpu.make_async_copy(o0, out_hbm.at[pl.ds(0, R)], so0).wait()
        pltpu.make_async_copy(o1, out_hbm.at[pl.ds(0, R)], so1).wait()

    return sc_combine


def kernel(combined_output, weights):
    B, T, K, D = combined_output.shape
    N = B * T
    x = combined_output.reshape(N, K, D)
    w = jnp.repeat(weights.reshape(N * K), _L)
    sc = _make_sc_combine(N, K, D, rows_per_step=8, n_workers=32)
    out = sc(x, w)
    return out.reshape(B, T, D)

# --- scband reference (transcript-rebuilt; emitter-appended) ---
"""Pipeline reference for scband-torch-split-connection-module-40991167873583 (READ-ONLY COPY).

The authoritative reference and input builder live on the scoring server;
editing this copy changes nothing except your own understanding.
"""

import jax, jax.numpy as jnp
import numpy as np


def setup_inputs(seed: int = 0) -> dict:
    key = jax.random.key(seed)
    k1, k2 = jax.random.split(key)
    combined_output = jax.random.normal(k1, (4, 2048, 2, 2048), dtype=jnp.float32)
    weights = jax.random.uniform(k2, (4, 2048, 2), dtype=jnp.float32)
    return {"combined_output": combined_output, "weights": weights}


def reference(combined_output, weights):
    # weighted = combined_output * weights.unsqueeze(-1); return weighted.sum(dim=2)
    weighted = combined_output * weights[..., None]
    return weighted.sum(axis=2)

if __name__ == "__main__":
    import jax
    _d = setup_inputs()
    print(jax.jit(kernel)(*tuple(_d.values())))

</pallas_src>

<mosaic_0001>
#map = affine_map<(d0, d1) -> (0, 0, 0)>
#map1 = affine_map<(d0, d1) -> (0)>
#map2 = affine_map<(d0, d1) -> (0, 0)>
module attributes {stable_mosaic.version = 14 : i64} {
  func.func @sc_combine(%arg0: i32, %arg1: i32, %arg2: memref<8192x2x2048xf32, #tpu.memory_space<hbm>>, %arg3: memref<262144xf32, #tpu.memory_space<hbm>>, %arg4: memref<8192x2048xf32, #tpu.memory_space<hbm>>, %arg5: memref<8192xf32, #tpu.memory_space<vmem>>, %arg6: memref<8x2x2048xf32, #tpu.memory_space<vmem>>, %arg7: memref<8x2x2048xf32, #tpu.memory_space<vmem>>, %arg8: memref<8x2048xf32, #tpu.memory_space<vmem>>, %arg9: memref<8x2048xf32, #tpu.memory_space<vmem>>, %arg10: memref<!tpu.dma_semaphore, #tpu.memory_space<semaphore_mem>>, %arg11: memref<!tpu.dma_semaphore, #tpu.memory_space<semaphore_mem>>, %arg12: memref<!tpu.dma_semaphore, #tpu.memory_space<semaphore_mem>>, %arg13: memref<!tpu.dma_semaphore, #tpu.memory_space<semaphore_mem>>) attributes {dimension_semantics = [#tpu.dimension_semantics<core_parallel>, #tpu.dimension_semantics<subcore_parallel>], iteration_bounds = array<i64: 2, 16>, scalar_prefetch = 0 : i64, scratch_operands = 9 : i64, tpu.core_type = #tpu.core_type<sc_vector_subcore>, window_params = [{transform_indices = #map}, {transform_indices = #map1}, {transform_indices = #map2}]} {
    %mul3A = arith.constant 2 : i32
    %mul3A_0 = arith.muli %arg1, %mul3A : i32
    %add3A = arith.addi %mul3A_0, %arg0 : i32
    %mul3A_1 = arith.constant 256 : i32
    %mul3A_2 = arith.muli %add3A, %mul3A_1 : i32
    %mul3A_3 = arith.constant 2 : i32
    %mul3A_4 = arith.muli %mul3A_2, %mul3A_3 : i32
    %mul3A_5 = arith.constant 16 : i32
    %mul3A_6 = arith.muli %mul3A_4, %mul3A_5 : i32
    "tpu.region"() ({
      %run_scoped3A = tpu.sem_alloc : memref<!tpu.dma_semaphore, #tpu.memory_space<semaphore_mem>>
      %dma_start3A_37 = tpu.memref_slice %arg3[%mul3A_6] : memref<262144xf32, #tpu.memory_space<hbm>> -> memref<8192xf32, #tpu.memory_space<hbm>>
      %dma_start3A_38 = tpu.memref_slice %arg3[%mul3A_6] : memref<262144xf32, #tpu.memory_space<hbm>> -> memref<8192xf32, #tpu.memory_space<hbm>>
      tpu.enqueue_dma source(%dma_start3A_38 : memref<8192xf32, #tpu.memory_space<hbm>>) target(%arg5 : memref<8192xf32, #tpu.memory_space<vmem>>) target_semaphore(%run_scoped3A : memref<!tpu.dma_semaphore, #tpu.memory_space<semaphore_mem>>)
      %dma_wait3A_39 = tpu.memref_slice %arg3[%mul3A_6] : memref<262144xf32, #tpu.memory_space<hbm>> -> memref<8192xf32, #tpu.memory_space<hbm>>
      %dma_wait3A_40 = tpu.memref_slice %arg3[%mul3A_6] : memref<262144xf32, #tpu.memory_space<hbm>> -> memref<8192xf32, #tpu.memory_space<hbm>>
      tpu.wait_dma2 semaphore(%run_scoped3A : memref<!tpu.dma_semaphore, #tpu.memory_space<semaphore_mem>>) src(%dma_wait3A_40 : memref<8192xf32, #tpu.memory_space<hbm>>) dst(%arg5 : memref<8192xf32, #tpu.memory_space<vmem>>)
      tpu.yield
    }) : () -> ()
    %add3A_7 = arith.constant 0 : i32
    %add3A_8 = arith.addi %mul3A_2, %add3A_7 : i32
    %dma_start3A = arith.constant 0 : i32
    %dma_start3A_9 = arith.constant 0 : i32
    %dma_start3A_10 = tpu.memref_slice %arg2[%add3A_8, %dma_start3A, %dma_start3A_9] : memref<8192x2x2048xf32, #tpu.memory_space<hbm>> -> memref<8x2x2048xf32, #tpu.memory_space<hbm>>
    %dma_start3A_11 = arith.constant 0 : i32
    %dma_start3A_12 = arith.constant 0 : i32
    %dma_start3A_13 = tpu.memref_slice %arg2[%add3A_8, %dma_start3A_11, %dma_start3A_12] : memref<8192x2x2048xf32, #tpu.memory_space<hbm>> -> memref<8x2x2048xf32, #tpu.memory_space<hbm>>
    tpu.enqueue_dma source(%dma_start3A_13 : memref<8x2x2048xf32, #tpu.memory_space<hbm>>) target(%arg6 : memref<8x2x2048xf32, #tpu.memory_space<vmem>>) target_semaphore(%arg10 : memref<!tpu.dma_semaphore, #tpu.memory_space<semaphore_mem>>)
    %add3A_14 = arith.constant 8 : i32
    %add3A_15 = arith.addi %mul3A_2, %add3A_14 : i32
    %dma_start3A_16 = arith.constant 0 : i32
    %dma_start3A_17 = arith.constant 0 : i32
    %dma_start3A_18 = tpu.memref_slice %arg2[%add3A_15, %dma_start3A_16, %dma_start3A_17] : memref<8192x2x2048xf32, #tpu.memory_space<hbm>> -> memref<8x2x2048xf32, #tpu.memory_space<hbm>>
    %dma_start3A_19 = arith.constant 0 : i32
    %dma_start3A_20 = arith.constant 0 : i32
    %dma_start3A_21 = tpu.memref_slice %arg2[%add3A_15, %dma_start3A_19, %dma_start3A_20] : memref<8192x2x2048xf32, #tpu.memory_space<hbm>> -> memref<8x2x2048xf32, #tpu.memory_space<hbm>>
    tpu.enqueue_dma source(%dma_start3A_21 : memref<8x2x2048xf32, #tpu.memory_space<hbm>>) target(%arg7 : memref<8x2x2048xf32, #tpu.memory_space<vmem>>) target_semaphore(%arg11 : memref<!tpu.dma_semaphore, #tpu.memory_space<semaphore_mem>>)
    %scan3A = arith.constant 0 : i32
    %scan3A_22 = arith.constant 16 : i32
    %scan3A_23 = arith.addi %scan3A, %scan3A_22 : i32
    %scan3A_24 = arith.constant 1 : i32
    scf.for %scan3A_37 = %scan3A to %scan3A_23 step %scan3A_24  : i32 {
      %mul3A_38 = arith.constant 2 : i32
      %mul3A_39 = arith.muli %scan3A_37, %mul3A_38 : i32
      %add3A_40 = arith.constant 0 : i32
      %add3A_41 = arith.addi %mul3A_39, %add3A_40 : i32
      %dma_wait3A_42 = arith.constant 0 : i32
      %dma_wait3A_43 = arith.constant 0 : i32
      %dma_wait3A_44 = arith.constant 0 : i32
      %dma_wait3A_45 = tpu.memref_slice %arg2[%dma_wait3A_42, %dma_wait3A_43, %dma_wait3A_44] : memref<8192x2x2048xf32, #tpu.memory_space<hbm>> -> memref<8x2x2048xf32, #tpu.memory_space<hbm>>
      %dma_wait3A_46 = arith.constant 0 : i32
      %dma_wait3A_47 = arith.constant 0 : i32
      %dma_wait3A_48 = arith.constant 0 : i32
      %dma_wait3A_49 = tpu.memref_slice %arg2[%dma_wait3A_46, %dma_wait3A_47, %dma_wait3A_48] : memref<8192x2x2048xf32, #tpu.memory_space<hbm>> -> memref<8x2x2048xf32, #tpu.memory_space<hbm>>
      tpu.wait_dma2 semaphore(%arg10 : memref<!tpu.dma_semaphore, #tpu.memory_space<semaphore_mem>>) src(%dma_wait3A_49 : memref<8x2x2048xf32, #tpu.memory_space<hbm>>) dst(%arg6 : memref<8x2x2048xf32, #tpu.memory_space<vmem>>)
      %gt3A = arith.constant 0 : i32
      %gt3A_50 = arith.cmpi sgt, %scan3A_37, %gt3A : i32
      %convert_element_type3A = arith.extui %gt3A_50 : i1 to i32
      %cond3A = arith.constant 0 : i32
      %cond3A_51 = arith.cmpi ne, %convert_element_type3A, %cond3A : i32
      scf.if %cond3A_51 {
        %dma_wait3A_420 = arith.constant 0 : i32
        %dma_wait3A_421 = arith.constant 0 : i32
        %dma_wait3A_422 = tpu.memref_slice %arg4[%dma_wait3A_420, %dma_wait3A_421] : memref<8192x2048xf32, #tpu.memory_space<hbm>> -> memref<8x2048xf32, #tpu.memory_space<hbm>>
        %dma_wait3A_423 = arith.constant 0 : i32
        %dma_wait3A_424 = arith.constant 0 : i32
        %dma_wait3A_425 = tpu.memref_slice %arg4[%dma_wait3A_423, %dma_wait3A_424] : memref<8192x2048xf32, #tpu.memory_space<hbm>> -> memref<8x2048xf32, #tpu.memory_space<hbm>>
        tpu.wait_dma2 semaphore(%arg12 : memref<!tpu.dma_semaphore, #tpu.memory_space<semaphore_mem>>) src(%arg8 : memref<8x2048xf32, #tpu.memory_space<vmem>>) dst(%dma_wait3A_425 : memref<8x2048xf32, #tpu.memory_space<hbm>>)
      } else {
      }
      %mul3A_52 = arith.constant 8 : i32
      %mul3A_53 = arith.muli %add3A_41, %mul3A_52 : i32
      %add3A_54 = arith.constant 0 : i32
      %add3A_55 = arith.addi %mul3A_53, %add3A_54 : i32
      %mul3A_56 = arith.constant 2 : i32
      %mul3A_57 = arith.muli %add3A_55, %mul3A_56 : i32
      %mul3A_58 = arith.constant 16 : i32
      %mul3A_59 = arith.muli %mul3A_57, %mul3A_58 : i32
      %get3A = arith.index_cast %mul3A_59 : i32 to index
      %get3A_60 = tpu.vector_load %arg5[%get3A] {strides = array<i32>} : memref<8192xf32, #tpu.memory_space<vmem>>, vector<16xf32>,
      %get3A_61 = vector.shape_cast %get3A_60 : vector<16xf32> to vector<16xf32>
      %add3A_62 = arith.constant 0 : i32
      %add3A_63 = arith.addi %mul3A_53, %add3A_62 : i32
      %mul3A_64 = arith.constant 2 : i32
      %mul3A_65 = arith.muli %add3A_63, %mul3A_64 : i32
      %mul3A_66 = arith.constant 16 : i32
      %mul3A_67 = arith.muli %mul3A_65, %mul3A_66 : i32
      %add3A_68 = arith.constant 16 : i32
      %add3A_69 = arith.addi %mul3A_67, %add3A_68 : i32
      %get3A_70 = arith.index_cast %add3A_69 : i32 to index
      %get3A_71 = tpu.vector_load %arg5[%get3A_70] {strides = array<i32>} : memref<8192xf32, #tpu.memory_space<vmem>>, vector<16xf32>,
      %get3A_72 = vector.shape_cast %get3A_71 : vector<16xf32> to vector<16xf32>
      %add3A_73 = arith.constant 1 : i32
      %add3A_74 = arith.addi %mul3A_53, %add3A_73 : i32
      %mul3A_75 = arith.constant 2 : i32
      %mul3A_76 = arith.muli %add3A_74, %mul3A_75 : i32
      %mul3A_77 = arith.constant 16 : i32
      %mul3A_78 = arith.muli %mul3A_76, %mul3A_77 : i32
      %get3A_79 = arith.index_cast %mul3A_78 : i32 to index
      %get3A_80 = tpu.vector_load %arg5[%get3A_79] {strides = array<i32>} : memref<8192xf32, #tpu.memory_space<vmem>>, vector<16xf32>,
      %get3A_81 = vector.shape_cast %get3A_80 : vector<16xf32> to vector<16xf32>
      %add3A_82 = arith.constant 1 : i32
      %add3A_83 = arith.addi %mul3A_53, %add3A_82 : i32
      %mul3A_84 = arith.constant 2 : i32
      %mul3A_85 = arith.muli %add3A_83, %mul3A_84 : i32
      %mul3A_86 = arith.constant 16 : i32
      %mul3A_87 = arith.muli %mul3A_85, %mul3A_86 : i32
      %add3A_88 = arith.constant 16 : i32
      %add3A_89 = arith.addi %mul3A_87, %add3A_88 : i32
      %get3A_90 = arith.index_cast %add3A_89 : i32 to index
      %get3A_91 = tpu.vector_load %arg5[%get3A_90] {strides = array<i32>} : memref<8192xf32, #tpu.memory_space<vmem>>, vector<16xf32>,
      %get3A_92 = vector.shape_cast %get3A_91 : vector<16xf32> to vector<16xf32>
      %add3A_93 = arith.constant 2 : i32
      %add3A_94 = arith.addi %mul3A_53, %add3A_93 : i32
      %mul3A_95 = arith.constant 2 : i32
      %mul3A_96 = arith.muli %add3A_94, %mul3A_95 : i32
      %mul3A_97 = arith.constant 16 : i32
      %mul3A_98 = arith.muli %mul3A_96, %mul3A_97 : i32
      %get3A_99 = arith.index_cast %mul3A_98 : i32 to index
      %get3A_100 = tpu.vector_load %arg5[%get3A_99] {strides = array<i32>} : memref<8192xf32, #tpu.memory_space<vmem>>, vector<16xf32>,
      %get3A_101 = vector.shape_cast %get3A_100 : vector<16xf32> to vector<16xf32>
      %add3A_102 = arith.constant 2 : i32
      %add3A_103 = arith.addi %mul3A_53, %add3A_102 : i32
      %mul3A_104 = arith.constant 2 : i32
      %mul3A_105 = arith.muli %add3A_103, %mul3A_104 : i32
      %mul3A_106 = arith.constant 16 : i32
      %mul3A_107 = arith.muli %mul3A_105, %mul3A_106 : i32
      %add3A_108 = arith.constant 16 : i32
      %add3A_109 = arith.addi %mul3A_107, %add3A_108 : i32
      %get3A_110 = arith.index_cast %add3A_109 : i32 to index
      %get3A_111 = tpu.vector_load %arg5[%get3A_110] {strides = array<i32>} : memref<8192xf32, #tpu.memory_space<vmem>>, vector<16xf32>,
      %get3A_112 = vector.shape_cast %get3A_111 : vector<16xf32> to vector<16xf32>
      %add3A_113 = arith.constant 3 : i32
      %add3A_114 = arith.addi %mul3A_53, %add3A_113 : i32
      %mul3A_115 = arith.constant 2 : i32
      %mul3A_116 = arith.muli %add3A_114, %mul3A_115 : i32
      %mul3A_117 = arith.constant 16 : i32
      %mul3A_118 = arith.muli %mul3A_116, %mul3A_117 : i32
      %get3A_119 = arith.index_cast %mul3A_118 : i32 to index
      %get3A_120 = tpu.vector_load %arg5[%get3A_119] {strides = array<i32>} : memref<8192xf32, #tpu.memory_space<vmem>>, vector<16xf32>,
      %get3A_121 = vector.shape_cast %get3A_120 : vector<16xf32> to vector<16xf32>
      %add3A_122 = arith.constant 3 : i32
      %add3A_123 = arith.addi %mul3A_53, %add3A_122 : i32
      %mul3A_124 = arith.constant 2 : i32
      %mul3A_125 = arith.muli %add3A_123, %mul3A_124 : i32
      %mul3A_126 = arith.constant 16 : i32
      %mul3A_127 = arith.muli %mul3A_125, %mul3A_126 : i32
      %add3A_128 = arith.constant 16 : i32
      %add3A_129 = arith.addi %mul3A_127, %add3A_128 : i32
      %get3A_130 = arith.index_cast %add3A_129 : i32 to index
      %get3A_131 = tpu.vector_load %arg5[%get3A_130] {strides = array<i32>} : memref<8192xf32, #tpu.memory_space<vmem>>, vector<16xf32>,
      %get3A_132 = vector.shape_cast %get3A_131 : vector<16xf32> to vector<16xf32>
      %add3A_133 = arith.constant 4 : i32
      %add3A_134 = arith.addi %mul3A_53, %add3A_133 : i32
      %mul3A_135 = arith.constant 2 : i32
      %mul3A_136 = arith.muli %add3A_134, %mul3A_135 : i32
      %mul3A_137 = arith.constant 16 : i32
      %mul3A_138 = arith.muli %mul3A_136, %mul3A_137 : i32
      %get3A_139 = arith.index_cast %mul3A_138 : i32 to index
      %get3A_140 = tpu.vector_load %arg5[%get3A_139] {strides = array<i32>} : memref<8192xf32, #tpu.memory_space<vmem>>, vector<16xf32>,
      %get3A_141 = vector.shape_cast %get3A_140 : vector<16xf32> to vector<16xf32>
      %add3A_142 = arith.constant 4 : i32
      %add3A_143 = arith.addi %mul3A_53, %add3A_142 : i32
      %mul3A_144 = arith.constant 2 : i32
      %mul3A_145 = arith.muli %add3A_143, %mul3A_144 : i32
      %mul3A_146 = arith.constant 16 : i32
      %mul3A_147 = arith.muli %mul3A_145, %mul3A_146 : i32
      %add3A_148 = arith.constant 16 : i32
      %add3A_149 = arith.addi %mul3A_147, %add3A_148 : i32
      %get3A_150 = arith.index_cast %add3A_149 : i32 to index
      %get3A_151 = tpu.vector_load %arg5[%get3A_150] {strides = array<i32>} : memref<8192xf32, #tpu.memory_space<vmem>>, vector<16xf32>,
      %get3A_152 = vector.shape_cast %get3A_151 : vector<16xf32> to vector<16xf32>
      %add3A_153 = arith.constant 5 : i32
      %add3A_154 = arith.addi %mul3A_53, %add3A_153 : i32
      %mul3A_155 = arith.constant 2 : i32
      %mul3A_156 = arith.muli %add3A_154, %mul3A_155 : i32
      %mul3A_157 = arith.constant 16 : i32
      %mul3A_158 = arith.muli %mul3A_156, %mul3A_157 : i32
      %get3A_159 = arith.index_cast %mul3A_158 : i32 to index
      %get3A_160 = tpu.vector_load %arg5[%get3A_159] {strides = array<i32>} : memref<8192xf32, #tpu.memory_space<vmem>>, vector<16xf32>,
      %get3A_161 = vector.shape_cast %get3A_160 : vector<16xf32> to vector<16xf32>
      %add3A_162 = arith.constant 5 : i32
      %add3A_163 = arith.addi %mul3A_53, %add3A_162 : i32
      %mul3A_164 = arith.constant 2 : i32
      %mul3A_165 = arith.muli %add3A_163, %mul3A_164 : i32
      %mul3A_166 = arith.constant 16 : i32
      %mul3A_167 = arith.muli %mul3A_165, %mul3A_166 : i32
      %add3A_168 = arith.constant 16 : i32
      %add3A_169 = arith.addi %mul3A_167, %add3A_168 : i32
      %get3A_170 = arith.index_cast %add3A_169 : i32 to index
      %get3A_171 = tpu.vector_load %arg5[%get3A_170] {strides = array<i32>} : memref<8192xf32, #tpu.memory_space<vmem>>, vector<16xf32>,
      %get3A_172 = vector.shape_cast %get3A_171 : vector<16xf32> to vector<16xf32>
      %add3A_173 = arith.constant 6 : i32
      %add3A_174 = arith.addi %mul3A_53, %add3A_173 : i32
      %mul3A_175 = arith.constant 2 : i32
      %mul3A_176 = arith.muli %add3A_174, %mul3A_175 : i32
      %mul3A_177 = arith.constant 16 : i32
      %mul3A_178 = arith.muli %mul3A_176, %mul3A_177 : i32
      %get3A_179 = arith.index_cast %mul3A_178 : i32 to index
      %get3A_180 = tpu.vector_load %arg5[%get3A_179] {strides = array<i32>} : memref<8192xf32, #tpu.memory_space<vmem>>, vector<16xf32>,
      %get3A_181 = vector.shape_cast %get3A_180 : vector<16xf32> to vector<16xf32>
      %add3A_182 = arith.constant 6 : i32
      %add3A_183 = arith.addi %mul3A_53, %add3A_182 : i32
      %mul3A_184 = arith.constant 2 : i32
      %mul3A_185 = arith.muli %add3A_183, %mul3A_184 : i32
      %mul3A_186 = arith.constant 16 : i32
      %mul3A_187 = arith.muli %mul3A_185, %mul3A_186 : i32
      %add3A_188 = arith.constant 16 : i32
      %add3A_189 = arith.addi %mul3A_187, %add3A_188 : i32
      %get3A_190 = arith.index_cast %add3A_189 : i32 to index
      %get3A_191 = tpu.vector_load %arg5[%get3A_190] {strides = array<i32>} : memref<8192xf32, #tpu.memory_space<vmem>>, vector<16xf32>,
      %get3A_192 = vector.shape_cast %get3A_191 : vector<16xf32> to vector<16xf32>
      %add3A_193 = arith.constant 7 : i32
      %add3A_194 = arith.addi %mul3A_53, %add3A_193 : i32
      %mul3A_195 = arith.constant 2 : i32
      %mul3A_196 = arith.muli %add3A_194, %mul3A_195 : i32
      %mul3A_197 = arith.constant 16 : i32
      %mul3A_198 = arith.muli %mul3A_196, %mul3A_197 : i32
      %get3A_199 = arith.index_cast %mul3A_198 : i32 to index
      %get3A_200 = tpu.vector_load %arg5[%get3A_199] {strides = array<i32>} : memref<8192xf32, #tpu.memory_space<vmem>>, vector<16xf32>,
      %get3A_201 = vector.shape_cast %get3A_200 : vector<16xf32> to vector<16xf32>
      %add3A_202 = arith.constant 7 : i32
      %add3A_203 = arith.addi %mul3A_53, %add3A_202 : i32
      %mul3A_204 = arith.constant 2 : i32
      %mul3A_205 = arith.muli %add3A_203, %mul3A_204 : i32
      %mul3A_206 = arith.constant 16 : i32
      %mul3A_207 = arith.muli %mul3A_205, %mul3A_206 : i32
      %add3A_208 = arith.constant 16 : i32
      %add3A_209 = arith.addi %mul3A_207, %add3A_208 : i32
      %get3A_210 = arith.index_cast %add3A_209 : i32 to index
      %get3A_211 = tpu.vector_load %arg5[%get3A_210] {strides = array<i32>} : memref<8192xf32, #tpu.memory_space<vmem>>, vector<16xf32>,
      %get3A_212 = vector.shape_cast %get3A_211 : vector<16xf32> to vector<16xf32>
      %parallel_loop3A = arith.constant 0 : i32
      %parallel_loop3A_213 = arith.constant 2048 : i32
      %parallel_loop3A_214 = arith.constant 16 : i32
      scf.for %parallel_loop3A_420 = %parallel_loop3A to %parallel_loop3A_213 step %parallel_loop3A_214  : i32 {
        %parallel_loop3A_421 = arith.constant 0 : i32
        %parallel_loop3A_422 = arith.constant 0 : i32
        %parallel_loop3A_423 = arith.index_cast %parallel_loop3A_421 : i32 to index
        %parallel_loop3A_424 = arith.index_cast %parallel_loop3A_422 : i32 to index
        %parallel_loop3A_425 = arith.index_cast %parallel_loop3A_420 : i32 to index
        %parallel_loop3A_426 = tpu.vector_load %arg6[%parallel_loop3A_423, %parallel_loop3A_424, %parallel_loop3A_425] {strides = array<i32>} : memref<8x2x2048xf32, #tpu.memory_space<vmem>>, vector<1x1x16xf32>,
        %parallel_loop3A_427 = vector.shape_cast %parallel_loop3A_426 : vector<1x1x16xf32> to vector<16xf32>
        %parallel_loop3A_428 = arith.constant 0 : i32
        %parallel_loop3A_429 = arith.constant 1 : i32
        %parallel_loop3A_430 = arith.index_cast %parallel_loop3A_428 : i32 to index
        %parallel_loop3A_431 = arith.index_cast %parallel_loop3A_429 : i32 to index
        %parallel_loop3A_432 = arith.index_cast %parallel_loop3A_420 : i32 to index
        %parallel_loop3A_433 = tpu.vector_load %arg6[%parallel_loop3A_430, %parallel_loop3A_431, %parallel_loop3A_432] {strides = array<i32>} : memref<8x2x2048xf32, #tpu.memory_space<vmem>>, vector<1x1x16xf32>,
        %parallel_loop3A_434 = vector.shape_cast %parallel_loop3A_433 : vector<1x1x16xf32> to vector<16xf32>
        %parallel_loop3A_435 = arith.mulf %parallel_loop3A_427, %get3A_61 : vector<16xf32>
        %parallel_loop3A_436 = arith.mulf %parallel_loop3A_434, %get3A_72 : vector<16xf32>
        %parallel_loop3A_437 = arith.addf %parallel_loop3A_435, %parallel_loop3A_436 : vector<16xf32>
        %parallel_loop3A_438 = arith.constant 0 : i32
        %parallel_loop3A_439 = arith.index_cast %parallel_loop3A_438 : i32 to index
        %parallel_loop3A_440 = arith.index_cast %parallel_loop3A_420 : i32 to index
        %parallel_loop3A_441 = tpu.vector_load %arg8[%parallel_loop3A_439, %parallel_loop3A_440] {strides = array<i32>} : memref<8x2048xf32, #tpu.memory_space<vmem>>, vector<1x16xf32>,
        %parallel_loop3A_442 = vector.shape_cast %parallel_loop3A_441 : vector<1x16xf32> to vector<16xf32>
        %parallel_loop3A_443 = vector.shape_cast %parallel_loop3A_437 : vector<16xf32> to vector<1x16xf32>
        tpu.vector_store %arg8[%parallel_loop3A_439, %parallel_loop3A_440], %parallel_loop3A_443 {strides = array<i32>} : memref<8x2048xf32, #tpu.memory_space<vmem>>, vector<1x16xf32>,
        %parallel_loop3A_444 = arith.constant 1 : i32
        %parallel_loop3A_445 = arith.constant 0 : i32
        %parallel_loop3A_446 = arith.index_cast %parallel_loop3A_444 : i32 to index
        %parallel_loop3A_447 = arith.index_cast %parallel_loop3A_445 : i32 to index
        %parallel_loop3A_448 = arith.index_cast %parallel_loop3A_420 : i32 to index
        %parallel_loop3A_449 = tpu.vector_load %arg6[%parallel_loop3A_446, %parallel_loop3A_447, %parallel_loop3A_448] {strides = array<i32>} : memref<8x2x2048xf32, #tpu.memory_space<vmem>>, vector<1x1x16xf32>,
        %parallel_loop3A_450 = vector.shape_cast %parallel_loop3A_449 : vector<1x1x16xf32> to vector<16xf32>
        %parallel_loop3A_451 = arith.constant 1 : i32
        %parallel_loop3A_452 = arith.constant 1 : i32
        %parallel_loop3A_453 = arith.index_cast %parallel_loop3A_451 : i32 to index
        %parallel_loop3A_454 = arith.index_cast %parallel_loop3A_452 : i32 to index
        %parallel_loop3A_455 = arith.index_cast %parallel_loop3A_420 : i32 to index
        %parallel_loop3A_456 = tpu.vector_load %arg6[%parallel_loop3A_453, %parallel_loop3A_454, %parallel_loop3A_455] {strides = array<i32>} : memref<8x2x2048xf32, #tpu.memory_space<vmem>>, vector<1x1x16xf32>,
        %parallel_loop3A_457 = vector.shape_cast %parallel_loop3A_456 : vector<1x1x16xf32> to vector<16xf32>
        %parallel_loop3A_458 = arith.mulf %parallel_loop3A_450, %get3A_81 : vector<16xf32>
        %parallel_loop3A_459 = arith.mulf %parallel_loop3A_457, %get3A_92 : vector<16xf32>
        %parallel_loop3A_460 = arith.addf %parallel_loop3A_458, %parallel_loop3A_459 : vector<16xf32>
        %parallel_loop3A_461 = arith.constant 1 : i32
        %parallel_loop3A_462 = arith.index_cast %parallel_loop3A_461 : i32 to index
        %parallel_loop3A_463 = arith.index_cast %parallel_loop3A_420 : i32 to index
        %parallel_loop3A_464 = tpu.vector_load %arg8[%parallel_loop3A_462, %parallel_loop3A_463] {strides = array<i32>} : memref<8x2048xf32, #tpu.memory_space<vmem>>, vector<1x16xf32>,
        %parallel_loop3A_465 = vector.shape_cast %parallel_loop3A_464 : vector<1x16xf32> to vector<16xf32>
        %parallel_loop3A_466 = vector.shape_cast %parallel_loop3A_460 : vector<16xf32> to vector<1x16xf32>
        tpu.vector_store %arg8[%parallel_loop3A_462, %parallel_loop3A_463], %parallel_loop3A_466 {strides = array<i32>} : memref<8x2048xf32, #tpu.memory_space<vmem>>, vector<1x16xf32>,
        %parallel_loop3A_467 = arith.constant 2 : i32
        %parallel_loop3A_468 = arith.constant 0 : i32
        %parallel_loop3A_469 = arith.index_cast %parallel_loop3A_467 : i32 to index
        %parallel_loop3A_470 = arith.index_cast %parallel_loop3A_468 : i32 to index
        %parallel_loop3A_471 = arith.index_cast %parallel_loop3A_420 : i32 to index
        %parallel_loop3A_472 = tpu.vector_load %arg6[%parallel_loop3A_469, %parallel_loop3A_470, %parallel_loop3A_471] {strides = array<i32>} : memref<8x2x2048xf32, #tpu.memory_space<vmem>>, vector<1x1x16xf32>,
        %parallel_loop3A_473 = vector.shape_cast %parallel_loop3A_472 : vector<1x1x16xf32> to vector<16xf32>
        %parallel_loop3A_474 = arith.constant 2 : i32
        %parallel_loop3A_475 = arith.constant 1 : i32
        %parallel_loop3A_476 = arith.index_cast %parallel_loop3A_474 : i32 to index
        %parallel_loop3A_477 = arith.index_cast %parallel_loop3A_475 : i32 to index
        %parallel_loop3A_478 = arith.index_cast %parallel_loop3A_420 : i32 to index
        %parallel_loop3A_479 = tpu.vector_load %arg6[%parallel_loop3A_476, %parallel_loop3A_477, %parallel_loop3A_478] {strides = array<i32>} : memref<8x2x2048xf32, #tpu.memory_space<vmem>>, vector<1x1x16xf32>,
        %parallel_loop3A_480 = vector.shape_cast %parallel_loop3A_479 : vector<1x1x16xf32> to vector<16xf32>
        %parallel_loop3A_481 = arith.mulf %parallel_loop3A_473, %get3A_101 : vector<16xf32>
        %parallel_loop3A_482 = arith.mulf %parallel_loop3A_480, %get3A_112 : vector<16xf32>
        %parallel_loop3A_483 = arith.addf %parallel_loop3A_481, %parallel_loop3A_482 : vector<16xf32>
        %parallel_loop3A_484 = arith.constant 2 : i32
        %parallel_loop3A_485 = arith.index_cast %parallel_loop3A_484 : i32 to index
        %parallel_loop3A_486 = arith.index_cast %parallel_loop3A_420 : i32 to index
        %parallel_loop3A_487 = tpu.vector_load %arg8[%parallel_loop3A_485, %parallel_loop3A_486] {strides = array<i32>} : memref<8x2048xf32, #tpu.memory_space<vmem>>, vector<1x16xf32>,
        %parallel_loop3A_488 = vector.shape_cast %parallel_loop3A_487 : vector<1x16xf32> to vector<16xf32>
        %parallel_loop3A_489 = vector.shape_cast %parallel_loop3A_483 : vector<16xf32> to vector<1x16xf32>
        tpu.vector_store %arg8[%parallel_loop3A_485, %parallel_loop3A_486], %parallel_loop3A_489 {strides = array<i32>} : memref<8x2048xf32, #tpu.memory_space<vmem>>, vector<1x16xf32>,
        %parallel_loop3A_490 = arith.constant 3 : i32
        %parallel_loop3A_491 = arith.constant 0 : i32
        %parallel_loop3A_492 = arith.index_cast %parallel_loop3A_490 : i32 to index
        %parallel_loop3A_493 = arith.index_cast %parallel_loop3A_491 : i32 to index
        %parallel_loop3A_494 = arith.index_cast %parallel_loop3A_420 : i32 to index
        %parallel_loop3A_495 = tpu.vector_load %arg6[%parallel_loop3A_492, %parallel_loop3A_493, %parallel_loop3A_494] {strides = array<i32>} : memref<8x2x2048xf32, #tpu.memory_space<vmem>>, vector<1x1x16xf32>,
        %parallel_loop3A_496 = vector.shape_cast %parallel_loop3A_495 : vector<1x1x16xf32> to vector<16xf32>
        %parallel_loop3A_497 = arith.constant 3 : i32
        %parallel_loop3A_498 = arith.constant 1 : i32
        %parallel_loop3A_499 = arith.index_cast %parallel_loop3A_497 : i32 to index
        %parallel_loop3A_500 = arith.index_cast %parallel_loop3A_498 : i32 to index
        %parallel_loop3A_501 = arith.index_cast %parallel_loop3A_420 : i32 to index
        %parallel_loop3A_502 = tpu.vector_load %arg6[%parallel_loop3A_499, %parallel_loop3A_500, %parallel_loop3A_501] {strides = array<i32>} : memref<8x2x2048xf32, #tpu.memory_space<vmem>>, vector<1x1x16xf32>,
        %parallel_loop3A_503 = vector.shape_cast %parallel_loop3A_502 : vector<1x1x16xf32> to vector<16xf32>
        %parallel_loop3A_504 = arith.mulf %parallel_loop3A_496, %get3A_121 : vector<16xf32>
        %parallel_loop3A_505 = arith.mulf %parallel_loop3A_503, %get3A_132 : vector<16xf32>
        %parallel_loop3A_506 = arith.addf %parallel_loop3A_504, %parallel_loop3A_505 : vector<16xf32>
        %parallel_loop3A_507 = arith.constant 3 : i32
        %parallel_loop3A_508 = arith.index_cast %parallel_loop3A_507 : i32 to index
        %parallel_loop3A_509 = arith.index_cast %parallel_loop3A_420 : i32 to index
        %parallel_loop3A_510 = tpu.vector_load %arg8[%parallel_loop3A_508, %parallel_loop3A_509] {strides = array<i32>} : memref<8x2048xf32, #tpu.memory_space<vmem>>, vector<1x16xf32>,
        %parallel_loop3A_511 = vector.shape_cast %parallel_loop3A_510 : vector<1x16xf32> to vector<16xf32>
        %parallel_loop3A_512 = vector.shape_cast %parallel_loop3A_506 : vector<16xf32> to vector<1x16xf32>
        tpu.vector_store %arg8[%parallel_loop3A_508, %parallel_loop3A_509], %parallel_loop3A_512 {strides = array<i32>} : memref<8x2048xf32, #tpu.memory_space<vmem>>, vector<1x16xf32>,
        %parallel_loop3A_513 = arith.constant 4 : i32
        %parallel_loop3A_514 = arith.constant 0 : i32
        %parallel_loop3A_515 = arith.index_cast %parallel_loop3A_513 : i32 to index
        %parallel_loop3A_516 = arith.index_cast %parallel_loop3A_514 : i32 to index
        %parallel_loop3A_517 = arith.index_cast %parallel_loop3A_420 : i32 to index
        %parallel_loop3A_518 = tpu.vector_load %arg6[%parallel_loop3A_515, %parallel_loop3A_516, %parallel_loop3A_517] {strides = array<i32>} : memref<8x2x2048xf32, #tpu.memory_space<vmem>>, vector<1x1x16xf32>,
        %parallel_loop3A_519 = vector.shape_cast %parallel_loop3A_518 : vector<1x1x16xf32> to vector<16xf32>
        %parallel_loop3A_520 = arith.constant 4 : i32
        %parallel_loop3A_521 = arith.constant 1 : i32
        %parallel_loop3A_522 = arith.index_cast %parallel_loop3A_520 : i32 to index
        %parallel_loop3A_523 = arith.index_cast %parallel_loop3A_521 : i32 to index
        %parallel_loop3A_524 = arith.index_cast %parallel_loop3A_420 : i32 to index
        %parallel_loop3A_525 = tpu.vector_load %arg6[%parallel_loop3A_522, %parallel_loop3A_523, %parallel_loop3A_524] {strides = array<i32>} : memref<8x2x2048xf32, #tpu.memory_space<vmem>>, vector<1x1x16xf32>,
        %parallel_loop3A_526 = vector.shape_cast %parallel_loop3A_525 : vector<1x1x16xf32> to vector<16xf32>
        %parallel_loop3A_527 = arith.mulf %parallel_loop3A_519, %get3A_141 : vector<16xf32>
        %parallel_loop3A_528 = arith.mulf %parallel_loop3A_526, %get3A_152 : vector<16xf32>
        %parallel_loop3A_529 = arith.addf %parallel_loop3A_527, %parallel_loop3A_528 : vector<16xf32>
        %parallel_loop3A_530 = arith.constant 4 : i32
        %parallel_loop3A_531 = arith.index_cast %parallel_loop3A_530 : i32 to index
        %parallel_loop3A_532 = arith.index_cast %parallel_loop3A_420 : i32 to index
        %parallel_loop3A_533 = tpu.vector_load %arg8[%parallel_loop3A_531, %parallel_loop3A_532] {strides = array<i32>} : memref<8x2048xf32, #tpu.memory_space<vmem>>, vector<1x16xf32>,
        %parallel_loop3A_534 = vector.shape_cast %parallel_loop3A_533 : vector<1x16xf32> to vector<16xf32>
        %parallel_loop3A_535 = vector.shape_cast %parallel_loop3A_529 : vector<16xf32> to vector<1x16xf32>
        tpu.vector_store %arg8[%parallel_loop3A_531, %parallel_loop3A_532], %parallel_loop3A_535 {strides = array<i32>} : memref<8x2048xf32, #tpu.memory_space<vmem>>, vector<1x16xf32>,
        %parallel_loop3A_536 = arith.constant 5 : i32
        %parallel_loop3A_537 = arith.constant 0 : i32
        %parallel_loop3A_538 = arith.index_cast %parallel_loop3A_536 : i32 to index
        %parallel_loop3A_539 = arith.index_cast %parallel_loop3A_537 : i32 to index
        %parallel_loop3A_540 = arith.index_cast %parallel_loop3A_420 : i32 to index
        %parallel_loop3A_541 = tpu.vector_load %arg6[%parallel_loop3A_538, %parallel_loop3A_539, %parallel_loop3A_540] {strides = array<i32>} : memref<8x2x2048xf32, #tpu.memory_space<vmem>>, vector<1x1x16xf32>,
        %parallel_loop3A_542 = vector.shape_cast %parallel_loop3A_541 : vector<1x1x16xf32> to vector<16xf32>
        %parallel_loop3A_543 = arith.constant 5 : i32
        %parallel_loop3A_544 = arith.constant 1 : i32
        %parallel_loop3A_545 = arith.index_cast %parallel_loop3A_543 : i32 to index
        %parallel_loop3A_546 = arith.index_cast %parallel_loop3A_544 : i32 to index
        %parallel_loop3A_547 = arith.index_cast %parallel_loop3A_420 : i32 to index
        %parallel_loop3A_548 = tpu.vector_load %arg6[%parallel_loop3A_545, %parallel_loop3A_546, %parallel_loop3A_547] {strides = array<i32>} : memref<8x2x2048xf32, #tpu.memory_space<vmem>>, vector<1x1x16xf32>,
        %parallel_loop3A_549 = vector.shape_cast %parallel_loop3A_548 : vector<1x1x16xf32> to vector<16xf32>
        %parallel_loop3A_550 = arith.mulf %parallel_loop3A_542, %get3A_161 : vector<16xf32>
        %parallel_loop3A_551 = arith.mulf %parallel_loop3A_549, %get3A_172 : vector<16xf32>
        %parallel_loop3A_552 = arith.addf %parallel_loop3A_550, %parallel_loop3A_551 : vector<16xf32>
        %parallel_loop3A_553 = arith.constant 5 : i32
        %parallel_loop3A_554 = arith.index_cast %parallel_loop3A_553 : i32 to index
        %parallel_loop3A_555 = arith.index_cast %parallel_loop3A_420 : i32 to index
        %parallel_loop3A_556 = tpu.vector_load %arg8[%parallel_loop3A_554, %parallel_loop3A_555] {strides = array<i32>} : memref<8x2048xf32, #tpu.memory_space<vmem>>, vector<1x16xf32>,
        %parallel_loop3A_557 = vector.shape_cast %parallel_loop3A_556 : vector<1x16xf32> to vector<16xf32>
        %parallel_loop3A_558 = vector.shape_cast %parallel_loop3A_552 : vector<16xf32> to vector<1x16xf32>
        tpu.vector_store %arg8[%parallel_loop3A_554, %parallel_loop3A_555], %parallel_loop3A_558 {strides = array<i32>} : memref<8x2048xf32, #tpu.memory_space<vmem>>, vector<1x16xf32>,
        %parallel_loop3A_559 = arith.constant 6 : i32
        %parallel_loop3A_560 = arith.constant 0 : i32
        %parallel_loop3A_561 = arith.index_cast %parallel_loop3A_559 : i32 to index
        %parallel_loop3A_562 = arith.index_cast %parallel_loop3A_560 : i32 to index
        %parallel_loop3A_563 = arith.index_cast %parallel_loop3A_420 : i32 to index
        %parallel_loop3A_564 = tpu.vector_load %arg6[%parallel_loop3A_561, %parallel_loop3A_562, %parallel_loop3A_563] {strides = array<i32>} : memref<8x2x2048xf32, #tpu.memory_space<vmem>>, vector<1x1x16xf32>,
        %parallel_loop3A_565 = vector.shape_cast %parallel_loop3A_564 : vector<1x1x16xf32> to vector<16xf32>
        %parallel_loop3A_566 = arith.constant 6 : i32
        %parallel_loop3A_567 = arith.constant 1 : i32
        %parallel_loop3A_568 = arith.index_cast %parallel_loop3A_566 : i32 to index
        %parallel_loop3A_569 = arith.index_cast %parallel_loop3A_567 : i32 to index
        %parallel_loop3A_570 = arith.index_cast %parallel_loop3A_420 : i32 to index
        %parallel_loop3A_571 = tpu.vector_load %arg6[%parallel_loop3A_568, %parallel_loop3A_569, %parallel_loop3A_570] {strides = array<i32>} : memref<8x2x2048xf32, #tpu.memory_space<vmem>>, vector<1x1x16xf32>,
        %parallel_loop3A_572 = vector.shape_cast %parallel_loop3A_571 : vector<1x1x16xf32> to vector<16xf32>
        %parallel_loop3A_573 = arith.mulf %parallel_loop3A_565, %get3A_181 : vector<16xf32>
        %parallel_loop3A_574 = arith.mulf %parallel_loop3A_572, %get3A_192 : vector<16xf32>
        %parallel_loop3A_575 = arith.addf %parallel_loop3A_573, %parallel_loop3A_574 : vector<16xf32>
        %parallel_loop3A_576 = arith.constant 6 : i32
        %parallel_loop3A_577 = arith.index_cast %parallel_loop3A_576 : i32 to index
        %parallel_loop3A_578 = arith.index_cast %parallel_loop3A_420 : i32 to index
        %parallel_loop3A_579 = tpu.vector_load %arg8[%parallel_loop3A_577, %parallel_loop3A_578] {strides = array<i32>} : memref<8x2048xf32, #tpu.memory_space<vmem>>, vector<1x16xf32>,
        %parallel_loop3A_580 = vector.shape_cast %parallel_loop3A_579 : vector<1x16xf32> to vector<16xf32>
        %parallel_loop3A_581 = vector.shape_cast %parallel_loop3A_575 : vector<16xf32> to vector<1x16xf32>
        tpu.vector_store %arg8[%parallel_loop3A_577, %parallel_loop3A_578], %parallel_loop3A_581 {strides = array<i32>} : memref<8x2048xf32, #tpu.memory_space<vmem>>, vector<1x16xf32>,
        %parallel_loop3A_582 = arith.constant 7 : i32
        %parallel_loop3A_583 = arith.constant 0 : i32
        %parallel_loop3A_584 = arith.index_cast %parallel_loop3A_582 : i32 to index
        %parallel_loop3A_585 = arith.index_cast %parallel_loop3A_583 : i32 to index
        %parallel_loop3A_586 = arith.index_cast %parallel_loop3A_420 : i32 to index
        %parallel_loop3A_587 = tpu.vector_load %arg6[%parallel_loop3A_584, %parallel_loop3A_585, %parallel_loop3A_586] {strides = array<i32>} : memref<8x2x2048xf32, #tpu.memory_space<vmem>>, vector<1x1x16xf32>,
        %parallel_loop3A_588 = vector.shape_cast %parallel_loop3A_587 : vector<1x1x16xf32> to vector<16xf32>
        %parallel_loop3A_589 = arith.constant 7 : i32
        %parallel_loop3A_590 = arith.constant 1 : i32
        %parallel_loop3A_591 = arith.index_cast %parallel_loop3A_589 : i32 to index
        %parallel_loop3A_592 = arith.index_cast %parallel_loop3A_590 : i32 to index
        %parallel_loop3A_593 = arith.index_cast %parallel_loop3A_420 : i32 to index
        %parallel_loop3A_594 = tpu.vector_load %arg6[%parallel_loop3A_591, %parallel_loop3A_592, %parallel_loop3A_593] {strides = array<i32>} : memref<8x2x2048xf32, #tpu.memory_space<vmem>>, vector<1x1x16xf32>,
        %parallel_loop3A_595 = vector.shape_cast %parallel_loop3A_594 : vector<1x1x16xf32> to vector<16xf32>
        %parallel_loop3A_596 = arith.mulf %parallel_loop3A_588, %get3A_201 : vector<16xf32>
        %parallel_loop3A_597 = arith.mulf %parallel_loop3A_595, %get3A_212 : vector<16xf32>
        %parallel_loop3A_598 = arith.addf %parallel_loop3A_596, %parallel_loop3A_597 : vector<16xf32>
        %parallel_loop3A_599 = arith.constant 7 : i32
        %parallel_loop3A_600 = arith.index_cast %parallel_loop3A_599 : i32 to index
        %parallel_loop3A_601 = arith.index_cast %parallel_loop3A_420 : i32 to index
        %parallel_loop3A_602 = tpu.vector_load %arg8[%parallel_loop3A_600, %parallel_loop3A_601] {strides = array<i32>} : memref<8x2048xf32, #tpu.memory_space<vmem>>, vector<1x16xf32>,
        %parallel_loop3A_603 = vector.shape_cast %parallel_loop3A_602 : vector<1x16xf32> to vector<16xf32>
        %parallel_loop3A_604 = vector.shape_cast %parallel_loop3A_598 : vector<16xf32> to vector<1x16xf32>
        tpu.vector_store %arg8[%parallel_loop3A_600, %parallel_loop3A_601], %parallel_loop3A_604 {strides = array<i32>} : memref<8x2048xf32, #tpu.memory_space<vmem>>, vector<1x16xf32>,
      } {sc.loop_unroll_factor = 2 : i64, sc.parallel_access}
      %mul3A_215 = arith.constant 8 : i32
      %mul3A_216 = arith.muli %add3A_41, %mul3A_215 : i32
      %add3A_217 = arith.addi %mul3A_2, %mul3A_216 : i32
      %dma_start3A_218 = arith.constant 0 : i32
      %dma_start3A_219 = tpu.memref_slice %arg4[%add3A_217, %dma_start3A_218] : memref<8192x2048xf32, #tpu.memory_space<hbm>> -> memref<8x2048xf32, #tpu.memory_space<hbm>>
      %dma_start3A_220 = arith.constant 0 : i32
      %dma_start3A_221 = tpu.memref_slice %arg4[%add3A_217, %dma_start3A_220] : memref<8192x2048xf32, #tpu.memory_space<hbm>> -> memref<8x2048xf32, #tpu.memory_space<hbm>>
      tpu.enqueue_dma source(%arg8 : memref<8x2048xf32, #tpu.memory_space<vmem>>) target(%dma_start3A_221 : memref<8x2048xf32, #tpu.memory_space<hbm>>) target_semaphore(%arg12 : memref<!tpu.dma_semaphore, #tpu.memory_space<semaphore_mem>>)
      %lt3A = arith.constant 15 : i32
      %lt3A_222 = arith.cmpi slt, %scan3A_37, %lt3A : i32
      %convert_element_type3A_223 = arith.extui %lt3A_222 : i1 to i32
      %cond3A_224 = arith.constant 0 : i32
      %cond3A_225 = arith.cmpi ne, %convert_element_type3A_223, %cond3A_224 : i32
      scf.if %cond3A_225 {
        %add3A_420 = arith.constant 2 : i32
        %add3A_421 = arith.addi %add3A_41, %add3A_420 : i32
        %mul3A_422 = arith.constant 8 : i32
        %mul3A_423 = arith.muli %add3A_421, %mul3A_422 : i32
        %add3A_424 = arith.addi %mul3A_2, %mul3A_423 : i32
        %dma_start3A_425 = arith.constant 0 : i32
        %dma_start3A_426 = arith.constant 0 : i32
        %dma_start3A_427 = tpu.memref_slice %arg2[%add3A_424, %dma_start3A_425, %dma_start3A_426] : memref<8192x2x2048xf32, #tpu.memory_space<hbm>> -> memref<8x2x2048xf32, #tpu.memory_space<hbm>>
        %dma_start3A_428 = arith.constant 0 : i32
        %dma_start3A_429 = arith.constant 0 : i32
        %dma_start3A_430 = tpu.memref_slice %arg2[%add3A_424, %dma_start3A_428, %dma_start3A_429] : memref<8192x2x2048xf32, #tpu.memory_space<hbm>> -> memref<8x2x2048xf32, #tpu.memory_space<hbm>>
        tpu.enqueue_dma source(%dma_start3A_430 : memref<8x2x2048xf32, #tpu.memory_space<hbm>>) target(%arg6 : memref<8x2x2048xf32, #tpu.memory_space<vmem>>) target_semaphore(%arg10 : memref<!tpu.dma_semaphore, #tpu.memory_space<semaphore_mem>>)
      } else {
      }
      %mul3A_226 = arith.constant 2 : i32
      %mul3A_227 = arith.muli %scan3A_37, %mul3A_226 : i32
      %add3A_228 = arith.constant 1 : i32
      %add3A_229 = arith.addi %mul3A_227, %add3A_228 : i32
      %dma_wait3A_230 = arith.constant 0 : i32
      %dma_wait3A_231 = arith.constant 0 : i32
      %dma_wait3A_232 = arith.constant 0 : i32
      %dma_wait3A_233 = tpu.memref_slice %arg2[%dma_wait3A_230, %dma_wait3A_231, %dma_wait3A_232] : memref<8192x2x2048xf32, #tpu.memory_space<hbm>> -> memref<8x2x2048xf32, #tpu.memory_space<hbm>>
      %dma_wait3A_234 = arith.constant 0 : i32
      %dma_wait3A_235 = arith.constant 0 : i32
      %dma_wait3A_236 = arith.constant 0 : i32
      %dma_wait3A_237 = tpu.memref_slice %arg2[%dma_wait3A_234, %dma_wait3A_235, %dma_wait3A_236] : memref<8192x2x2048xf32, #tpu.memory_space<hbm>> -> memref<8x2x2048xf32, #tpu.memory_space<hbm>>
      tpu.wait_dma2 semaphore(%arg11 : memref<!tpu.dma_semaphore, #tpu.memory_space<semaphore_mem>>) src(%dma_wait3A_237 : memref<8x2x2048xf32, #tpu.memory_space<hbm>>) dst(%arg7 : memref<8x2x2048xf32, #tpu.memory_space<vmem>>)
      %gt3A_238 = arith.constant 0 : i32
      %gt3A_239 = arith.cmpi sgt, %scan3A_37, %gt3A_238 : i32
      %convert_element_type3A_240 = arith.extui %gt3A_239 : i1 to i32
      %cond3A_241 = arith.constant 0 : i32
      %cond3A_242 = arith.cmpi ne, %convert_element_type3A_240, %cond3A_241 : i32
      scf.if %cond3A_242 {
        %dma_wait3A_420 = arith.constant 0 : i32
        %dma_wait3A_421 = arith.constant 0 : i32
        %dma_wait3A_422 = tpu.memref_slice %arg4[%dma_wait3A_420, %dma_wait3A_421] : memref<8192x2048xf32, #tpu.memory_space<hbm>> -> memref<8x2048xf32, #tpu.memory_space<hbm>>
        %dma_wait3A_423 = arith.constant 0 : i32
        %dma_wait3A_424 = arith.constant 0 : i32
        %dma_wait3A_425 = tpu.memref_slice %arg4[%dma_wait3A_423, %dma_wait3A_424] : memref<8192x2048xf32, #tpu.memory_space<hbm>> -> memref<8x2048xf32, #tpu.memory_space<hbm>>
        tpu.wait_dma2 semaphore(%arg13 : memref<!tpu.dma_semaphore, #tpu.memory_space<semaphore_mem>>) src(%arg9 : memref<8x2048xf32, #tpu.memory_space<vmem>>) dst(%dma_wait3A_425 : memref<8x2048xf32, #tpu.memory_space<hbm>>)
      } else {
      }
      %mul3A_243 = arith.constant 8 : i32
      %mul3A_244 = arith.muli %add3A_229, %mul3A_243 : i32
      %add3A_245 = arith.constant 0 : i32
      %add3A_246 = arith.addi %mul3A_244, %add3A_245 : i32
      %mul3A_247 = arith.constant 2 : i32
      %mul3A_248 = arith.muli %add3A_246, %mul3A_247 : i32
      %mul3A_249 = arith.constant 16 : i32
      %mul3A_250 = arith.muli %mul3A_248, %mul3A_249 : i32
      %get3A_251 = arith.index_cast %mul3A_250 : i32 to index
      %get3A_252 = tpu.vector_load %arg5[%get3A_251] {strides = array<i32>} : memref<8192xf32, #tpu.memory_space<vmem>>, vector<16xf32>,
      %get3A_253 = vector.shape_cast %get3A_252 : vector<16xf32> to vector<16xf32>
      %add3A_254 = arith.constant 0 : i32
      %add3A_255 = arith.addi %mul3A_244, %add3A_254 : i32
      %mul3A_256 = arith.constant 2 : i32
      %mul3A_257 = arith.muli %add3A_255, %mul3A_256 : i32
      %mul3A_258 = arith.constant 16 : i32
      %mul3A_259 = arith.muli %mul3A_257, %mul3A_258 : i32
      %add3A_260 = arith.constant 16 : i32
      %add3A_261 = arith.addi %mul3A_259, %add3A_260 : i32
      %get3A_262 = arith.index_cast %add3A_261 : i32 to index
      %get3A_263 = tpu.vector_load %arg5[%get3A_262] {strides = array<i32>} : memref<8192xf32, #tpu.memory_space<vmem>>, vector<16xf32>,
      %get3A_264 = vector.shape_cast %get3A_263 : vector<16xf32> to vector<16xf32>
      %add3A_265 = arith.constant 1 : i32
      %add3A_266 = arith.addi %mul3A_244, %add3A_265 : i32
      %mul3A_267 = arith.constant 2 : i32
      %mul3A_268 = arith.muli %add3A_266, %mul3A_267 : i32
      %mul3A_269 = arith.constant 16 : i32
      %mul3A_270 = arith.muli %mul3A_268, %mul3A_269 : i32
      %get3A_271 = arith.index_cast %mul3A_270 : i32 to index
      %get3A_272 = tpu.vector_load %arg5[%get3A_271] {strides = array<i32>} : memref<8192xf32, #tpu.memory_space<vmem>>, vector<16xf32>,
      %get3A_273 = vector.shape_cast %get3A_272 : vector<16xf32> to vector<16xf32>
      %add3A_274 = arith.constant 1 : i32
      %add3A_275 = arith.addi %mul3A_244, %add3A_274 : i32
      %mul3A_276 = arith.constant 2 : i32
      %mul3A_277 = arith.muli %add3A_275, %mul3A_276 : i32
      %mul3A_278 = arith.constant 16 : i32
      %mul3A_279 = arith.muli %mul3A_277, %mul3A_278 : i32
      %add3A_280 = arith.constant 16 : i32
      %add3A_281 = arith.addi %mul3A_279, %add3A_280 : i32
      %get3A_282 = arith.index_cast %add3A_281 : i32 to index
      %get3A_283 = tpu.vector_load %arg5[%get3A_282] {strides = array<i32>} : memref<8192xf32, #tpu.memory_space<vmem>>, vector<16xf32>,
      %get3A_284 = vector.shape_cast %get3A_283 : vector<16xf32> to vector<16xf32>
      %add3A_285 = arith.constant 2 : i32
      %add3A_286 = arith.addi %mul3A_244, %add3A_285 : i32
      %mul3A_287 = arith.constant 2 : i32
      %mul3A_288 = arith.muli %add3A_286, %mul3A_287 : i32
      %mul3A_289 = arith.constant 16 : i32
      %mul3A_290 = arith.muli %mul3A_288, %mul3A_289 : i32
      %get3A_291 = arith.index_cast %mul3A_290 : i32 to index
      %get3A_292 = tpu.vector_load %arg5[%get3A_291] {strides = array<i32>} : memref<8192xf32, #tpu.memory_space<vmem>>, vector<16xf32>,
      %get3A_293 = vector.shape_cast %get3A_292 : vector<16xf32> to vector<16xf32>
      %add3A_294 = arith.constant 2 : i32
      %add3A_295 = arith.addi %mul3A_244, %add3A_294 : i32
      %mul3A_296 = arith.constant 2 : i32
      %mul3A_297 = arith.muli %add3A_295, %mul3A_296 : i32
      %mul3A_298 = arith.constant 16 : i32
      %mul3A_299 = arith.muli %mul3A_297, %mul3A_298 : i32
      %add3A_300 = arith.constant 16 : i32
      %add3A_301 = arith.addi %mul3A_299, %add3A_300 : i32
      %get3A_302 = arith.index_cast %add3A_301 : i32 to index
      %get3A_303 = tpu.vector_load %arg5[%get3A_302] {strides = array<i32>} : memref<8192xf32, #tpu.memory_space<vmem>>, vector<16xf32>,
      %get3A_304 = vector.shape_cast %get3A_303 : vector<16xf32> to vector<16xf32>
      %add3A_305 = arith.constant 3 : i32
      %add3A_306 = arith.addi %mul3A_244, %add3A_305 : i32
      %mul3A_307 = arith.constant 2 : i32
      %mul3A_308 = arith.muli %add3A_306, %mul3A_307 : i32
      %mul3A_309 = arith.constant 16 : i32
      %mul3A_310 = arith.muli %mul3A_308, %mul3A_309 : i32
      %get3A_311 = arith.index_cast %mul3A_310 : i32 to index
      %get3A_312 = tpu.vector_load %arg5[%get3A_311] {strides = array<i32>} : memref<8192xf32, #tpu.memory_space<vmem>>, vector<16xf32>,
      %get3A_313 = vector.shape_cast %get3A_312 : vector<16xf32> to vector<16xf32>
      %add3A_314 = arith.constant 3 : i32
      %add3A_315 = arith.addi %mul3A_244, %add3A_314 : i32
      %mul3A_316 = arith.constant 2 : i32
      %mul3A_317 = arith.muli %add3A_315, %mul3A_316 : i32
      %mul3A_318 = arith.constant 16 : i32
      %mul3A_319 = arith.muli %mul3A_317, %mul3A_318 : i32
      %add3A_320 = arith.constant 16 : i32
      %add3A_321 = arith.addi %mul3A_319, %add3A_320 : i32
      %get3A_322 = arith.index_cast %add3A_321 : i32 to index
      %get3A_323 = tpu.vector_load %arg5[%get3A_322] {strides = array<i32>} : memref<8192xf32, #tpu.memory_space<vmem>>, vector<16xf32>,
      %get3A_324 = vector.shape_cast %get3A_323 : vector<16xf32> to vector<16xf32>
      %add3A_325 = arith.constant 4 : i32
      %add3A_326 = arith.addi %mul3A_244, %add3A_325 : i32
      %mul3A_327 = arith.constant 2 : i32
      %mul3A_328 = arith.muli %add3A_326, %mul3A_327 : i32
      %mul3A_329 = arith.constant 16 : i32
      %mul3A_330 = arith.muli %mul3A_328, %mul3A_329 : i32
      %get3A_331 = arith.index_cast %mul3A_330 : i32 to index
      %get3A_332 = tpu.vector_load %arg5[%get3A_331] {strides = array<i32>} : memref<8192xf32, #tpu.memory_space<vmem>>, vector<16xf32>,
      %get3A_333 = vector.shape_cast %get3A_332 : vector<16xf32> to vector<16xf32>
      %add3A_334 = arith.constant 4 : i32
      %add3A_335 = arith.addi %mul3A_244, %add3A_334 : i32
      %mul3A_336 = arith.constant 2 : i32
      %mul3A_337 = arith.muli %add3A_335, %mul3A_336 : i32
      %mul3A_338 = arith.constant 16 : i32
      %mul3A_339 = arith.muli %mul3A_337, %mul3A_338 : i32
      %add3A_340 = arith.constant 16 : i32
      %add3A_341 = arith.addi %mul3A_339, %add3A_340 : i32
      %get3A_342 = arith.index_cast %add3A_341 : i32 to index
      %get3A_343 = tpu.vector_load %arg5[%get3A_342] {strides = array<i32>} : memref<8192xf32, #tpu.memory_space<vmem>>, vector<16xf32>,
      %get3A_344 = vector.shape_cast %get3A_343 : vector<16xf32> to vector<16xf32>
      %add3A_345 = arith.constant 5 : i32
      %add3A_346 = arith.addi %mul3A_244, %add3A_345 : i32
      %mul3A_347 = arith.constant 2 : i32
      %mul3A_348 = arith.muli %add3A_346, %mul3A_347 : i32
      %mul3A_349 = arith.constant 16 : i32
      %mul3A_350 = arith.muli %mul3A_348, %mul3A_349 : i32
      %get3A_351 = arith.index_cast %mul3A_350 : i32 to index
      %get3A_352 = tpu.vector_load %arg5[%get3A_351] {strides = array<i32>} : memref<8192xf32, #tpu.memory_space<vmem>>, vector<16xf32>,
      %get3A_353 = vector.shape_cast %get3A_352 : vector<16xf32> to vector<16xf32>
      %add3A_354 = arith.constant 5 : i32
      %add3A_355 = arith.addi %mul3A_244, %add3A_354 : i32
      %mul3A_356 = arith.constant 2 : i32
      %mul3A_357 = arith.muli %add3A_355, %mul3A_356 : i32
      %mul3A_358 = arith.constant 16 : i32
      %mul3A_359 = arith.muli %mul3A_357, %mul3A_358 : i32
      %add3A_360 = arith.constant 16 : i32
      %add3A_361 = arith.addi %mul3A_359, %add3A_360 : i32
      %get3A_362 = arith.index_cast %add3A_361 : i32 to index
      %get3A_363 = tpu.vector_load %arg5[%get3A_362] {strides = array<i32>} : memref<8192xf32, #tpu.memory_space<vmem>>, vector<16xf32>,
      %get3A_364 = vector.shape_cast %get3A_363 : vector<16xf32> to vector<16xf32>
      %add3A_365 = arith.constant 6 : i32
      %add3A_366 = arith.addi %mul3A_244, %add3A_365 : i32
      %mul3A_367 = arith.constant 2 : i32
      %mul3A_368 = arith.muli %add3A_366, %mul3A_367 : i32
      %mul3A_369 = arith.constant 16 : i32
      %mul3A_370 = arith.muli %mul3A_368, %mul3A_369 : i32
      %get3A_371 = arith.index_cast %mul3A_370 : i32 to index
      %get3A_372 = tpu.vector_load %arg5[%get3A_371] {strides = array<i32>} : memref<8192xf32, #tpu.memory_space<vmem>>, vector<16xf32>,
      %get3A_373 = vector.shape_cast %get3A_372 : vector<16xf32> to vector<16xf32>
      %add3A_374 = arith.constant 6 : i32
      %add3A_375 = arith.addi %mul3A_244, %add3A_374 : i32
      %mul3A_376 = arith.constant 2 : i32
      %mul3A_377 = arith.muli %add3A_375, %mul3A_376 : i32
      %mul3A_378 = arith.constant 16 : i32
      %mul3A_379 = arith.muli %mul3A_377, %mul3A_378 : i32
      %add3A_380 = arith.constant 16 : i32
      %add3A_381 = arith.addi %mul3A_379, %add3A_380 : i32
      %get3A_382 = arith.index_cast %add3A_381 : i32 to index
      %get3A_383 = tpu.vector_load %arg5[%get3A_382] {strides = array<i32>} : memref<8192xf32, #tpu.memory_space<vmem>>, vector<16xf32>,
      %get3A_384 = vector.shape_cast %get3A_383 : vector<16xf32> to vector<16xf32>
      %add3A_385 = arith.constant 7 : i32
      %add3A_386 = arith.addi %mul3A_244, %add3A_385 : i32
      %mul3A_387 = arith.constant 2 : i32
      %mul3A_388 = arith.muli %add3A_386, %mul3A_387 : i32
      %mul3A_389 = arith.constant 16 : i32
      %mul3A_390 = arith.muli %mul3A_388, %mul3A_389 : i32
      %get3A_391 = arith.index_cast %mul3A_390 : i32 to index
      %get3A_392 = tpu.vector_load %arg5[%get3A_391] {strides = array<i32>} : memref<8192xf32, #tpu.memory_space<vmem>>, vector<16xf32>,
      %get3A_393 = vector.shape_cast %get3A_392 : vector<16xf32> to vector<16xf32>
      %add3A_394 = arith.constant 7 : i32
      %add3A_395 = arith.addi %mul3A_244, %add3A_394 : i32
      %mul3A_396 = arith.constant 2 : i32
      %mul3A_397 = arith.muli %add3A_395, %mul3A_396 : i32
      %mul3A_398 = arith.constant 16 : i32
      %mul3A_399 = arith.muli %mul3A_397, %mul3A_398 : i32
      %add3A_400 = arith.constant 16 : i32
      %add3A_401 = arith.addi %mul3A_399, %add3A_400 : i32
      %get3A_402 = arith.index_cast %add3A_401 : i32 to index
      %get3A_403 = tpu.vector_load %arg5[%get3A_402] {strides = array<i32>} : memref<8192xf32, #tpu.memory_space<vmem>>, vector<16xf32>,
      %get3A_404 = vector.shape_cast %get3A_403 : vector<16xf32> to vector<16xf32>
      %parallel_loop3A_405 = arith.constant 0 : i32
      %parallel_loop3A_406 = arith.constant 2048 : i32
      %parallel_loop3A_407 = arith.constant 16 : i32
      scf.for %parallel_loop3A_420 = %parallel_loop3A_405 to %parallel_loop3A_406 step %parallel_loop3A_407  : i32 {
        %parallel_loop3A_421 = arith.constant 0 : i32
        %parallel_loop3A_422 = arith.constant 0 : i32
        %parallel_loop3A_423 = arith.index_cast %parallel_loop3A_421 : i32 to index
        %parallel_loop3A_424 = arith.index_cast %parallel_loop3A_422 : i32 to index
        %parallel_loop3A_425 = arith.index_cast %parallel_loop3A_420 : i32 to index
        %parallel_loop3A_426 = tpu.vector_load %arg7[%parallel_loop3A_423, %parallel_loop3A_424, %parallel_loop3A_425] {strides = array<i32>} : memref<8x2x2048xf32, #tpu.memory_space<vmem>>, vector<1x1x16xf32>,
        %parallel_loop3A_427 = vector.shape_cast %parallel_loop3A_426 : vector<1x1x16xf32> to vector<16xf32>
        %parallel_loop3A_428 = arith.constant 0 : i32
        %parallel_loop3A_429 = arith.constant 1 : i32
        %parallel_loop3A_430 = arith.index_cast %parallel_loop3A_428 : i32 to index
        %parallel_loop3A_431 = arith.index_cast %parallel_loop3A_429 : i32 to index
        %parallel_loop3A_432 = arith.index_cast %parallel_loop3A_420 : i32 to index
        %parallel_loop3A_433 = tpu.vector_load %arg7[%parallel_loop3A_430, %parallel_loop3A_431, %parallel_loop3A_432] {strides = array<i32>} : memref<8x2x2048xf32, #tpu.memory_space<vmem>>, vector<1x1x16xf32>,
        %parallel_loop3A_434 = vector.shape_cast %parallel_loop3A_433 : vector<1x1x16xf32> to vector<16xf32>
        %parallel_loop3A_435 = arith.mulf %parallel_loop3A_427, %get3A_253 : vector<16xf32>
        %parallel_loop3A_436 = arith.mulf %parallel_loop3A_434, %get3A_264 : vector<16xf32>
        %parallel_loop3A_437 = arith.addf %parallel_loop3A_435, %parallel_loop3A_436 : vector<16xf32>
        %parallel_loop3A_438 = arith.constant 0 : i32
        %parallel_loop3A_439 = arith.index_cast %parallel_loop3A_438 : i32 to index
        %parallel_loop3A_440 = arith.index_cast %parallel_loop3A_420 : i32 to index
        %parallel_loop3A_441 = tpu.vector_load %arg9[%parallel_loop3A_439, %parallel_loop3A_440] {strides = array<i32>} : memref<8x2048xf32, #tpu.memory_space<vmem>>, vector<1x16xf32>,
        %parallel_loop3A_442 = vector.shape_cast %parallel_loop3A_441 : vector<1x16xf32> to vector<16xf32>
        %parallel_loop3A_443 = vector.shape_cast %parallel_loop3A_437 : vector<16xf32> to vector<1x16xf32>
        tpu.vector_store %arg9[%parallel_loop3A_439, %parallel_loop3A_440], %parallel_loop3A_443 {strides = array<i32>} : memref<8x2048xf32, #tpu.memory_space<vmem>>, vector<1x16xf32>,
        %parallel_loop3A_444 = arith.constant 1 : i32
        %parallel_loop3A_445 = arith.constant 0 : i32
        %parallel_loop3A_446 = arith.index_cast %parallel_loop3A_444 : i32 to index
        %parallel_loop3A_447 = arith.index_cast %parallel_loop3A_445 : i32 to index
        %parallel_loop3A_448 = arith.index_cast %parallel_loop3A_420 : i32 to index
        %parallel_loop3A_449 = tpu.vector_load %arg7[%parallel_loop3A_446, %parallel_loop3A_447, %parallel_loop3A_448] {strides = array<i32>} : memref<8x2x2048xf32, #tpu.memory_space<vmem>>, vector<1x1x16xf32>,
        %parallel_loop3A_450 = vector.shape_cast %parallel_loop3A_449 : vector<1x1x16xf32> to vector<16xf32>
        %parallel_loop3A_451 = arith.constant 1 : i32
        %parallel_loop3A_452 = arith.constant 1 : i32
        %parallel_loop3A_453 = arith.index_cast %parallel_loop3A_451 : i32 to index
        %parallel_loop3A_454 = arith.index_cast %parallel_loop3A_452 : i32 to index
        %parallel_loop3A_455 = arith.index_cast %parallel_loop3A_420 : i32 to index
        %parallel_loop3A_456 = tpu.vector_load %arg7[%parallel_loop3A_453, %parallel_loop3A_454, %parallel_loop3A_455] {strides = array<i32>} : memref<8x2x2048xf32, #tpu.memory_space<vmem>>, vector<1x1x16xf32>,
        %parallel_loop3A_457 = vector.shape_cast %parallel_loop3A_456 : vector<1x1x16xf32> to vector<16xf32>
        %parallel_loop3A_458 = arith.mulf %parallel_loop3A_450, %get3A_273 : vector<16xf32>
        %parallel_loop3A_459 = arith.mulf %parallel_loop3A_457, %get3A_284 : vector<16xf32>
        %parallel_loop3A_460 = arith.addf %parallel_loop3A_458, %parallel_loop3A_459 : vector<16xf32>
        %parallel_loop3A_461 = arith.constant 1 : i32
        %parallel_loop3A_462 = arith.index_cast %parallel_loop3A_461 : i32 to index
        %parallel_loop3A_463 = arith.index_cast %parallel_loop3A_420 : i32 to index
        %parallel_loop3A_464 = tpu.vector_load %arg9[%parallel_loop3A_462, %parallel_loop3A_463] {strides = array<i32>} : memref<8x2048xf32, #tpu.memory_space<vmem>>, vector<1x16xf32>,
        %parallel_loop3A_465 = vector.shape_cast %parallel_loop3A_464 : vector<1x16xf32> to vector<16xf32>
        %parallel_loop3A_466 = vector.shape_cast %parallel_loop3A_460 : vector<16xf32> to vector<1x16xf32>
        tpu.vector_store %arg9[%parallel_loop3A_462, %parallel_loop3A_463], %parallel_loop3A_466 {strides = array<i32>} : memref<8x2048xf32, #tpu.memory_space<vmem>>, vector<1x16xf32>,
        %parallel_loop3A_467 = arith.constant 2 : i32
        %parallel_loop3A_468 = arith.constant 0 : i32
        %parallel_loop3A_469 = arith.index_cast %parallel_loop3A_467 : i32 to index
        %parallel_loop3A_470 = arith.index_cast %parallel_loop3A_468 : i32 to index
        %parallel_loop3A_471 = arith.index_cast %parallel_loop3A_420 : i32 to index
        %parallel_loop3A_472 = tpu.vector_load %arg7[%parallel_loop3A_469, %parallel_loop3A_470, %parallel_loop3A_471] {strides = array<i32>} : memref<8x2x2048xf32, #tpu.memory_space<vmem>>, vector<1x1x16xf32>,
        %parallel_loop3A_473 = vector.shape_cast %parallel_loop3A_472 : vector<1x1x16xf32> to vector<16xf32>
        %parallel_loop3A_474 = arith.constant 2 : i32
        %parallel_loop3A_475 = arith.constant 1 : i32
        %parallel_loop3A_476 = arith.index_cast %parallel_loop3A_474 : i32 to index
        %parallel_loop3A_477 = arith.index_cast %parallel_loop3A_475 : i32 to index
        %parallel_loop3A_478 = arith.index_cast %parallel_loop3A_420 : i32 to index
        %parallel_loop3A_479 = tpu.vector_load %arg7[%parallel_loop3A_476, %parallel_loop3A_477, %parallel_loop3A_478] {strides = array<i32>} : memref<8x2x2048xf32, #tpu.memory_space<vmem>>, vector<1x1x16xf32>,
        %parallel_loop3A_480 = vector.shape_cast %parallel_loop3A_479 : vector<1x1x16xf32> to vector<16xf32>
        %parallel_loop3A_481 = arith.mulf %parallel_loop3A_473, %get3A_293 : vector<16xf32>
        %parallel_loop3A_482 = arith.mulf %parallel_loop3A_480, %get3A_304 : vector<16xf32>
        %parallel_loop3A_483 = arith.addf %parallel_loop3A_481, %parallel_loop3A_482 : vector<16xf32>
        %parallel_loop3A_484 = arith.constant 2 : i32
        %parallel_loop3A_485 = arith.index_cast %parallel_loop3A_484 : i32 to index
        %parallel_loop3A_486 = arith.index_cast %parallel_loop3A_420 : i32 to index
        %parallel_loop3A_487 = tpu.vector_load %arg9[%parallel_loop3A_485, %parallel_loop3A_486] {strides = array<i32>} : memref<8x2048xf32, #tpu.memory_space<vmem>>, vector<1x16xf32>,
        %parallel_loop3A_488 = vector.shape_cast %parallel_loop3A_487 : vector<1x16xf32> to vector<16xf32>
        %parallel_loop3A_489 = vector.shape_cast %parallel_loop3A_483 : vector<16xf32> to vector<1x16xf32>
        tpu.vector_store %arg9[%parallel_loop3A_485, %parallel_loop3A_486], %parallel_loop3A_489 {strides = array<i32>} : memref<8x2048xf32, #tpu.memory_space<vmem>>, vector<1x16xf32>,
        %parallel_loop3A_490 = arith.constant 3 : i32
        %parallel_loop3A_491 = arith.constant 0 : i32
        %parallel_loop3A_492 = arith.index_cast %parallel_loop3A_490 : i32 to index
        %parallel_loop3A_493 = arith.index_cast %parallel_loop3A_491 : i32 to index
        %parallel_loop3A_494 = arith.index_cast %parallel_loop3A_420 : i32 to index
        %parallel_loop3A_495 = tpu.vector_load %arg7[%parallel_loop3A_492, %parallel_loop3A_493, %parallel_loop3A_494] {strides = array<i32>} : memref<8x2x2048xf32, #tpu.memory_space<vmem>>, vector<1x1x16xf32>,
        %parallel_loop3A_496 = vector.shape_cast %parallel_loop3A_495 : vector<1x1x16xf32> to vector<16xf32>
        %parallel_loop3A_497 = arith.constant 3 : i32
        %parallel_loop3A_498 = arith.constant 1 : i32
        %parallel_loop3A_499 = arith.index_cast %parallel_loop3A_497 : i32 to index
        %parallel_loop3A_500 = arith.index_cast %parallel_loop3A_498 : i32 to index
        %parallel_loop3A_501 = arith.index_cast %parallel_loop3A_420 : i32 to index
        %parallel_loop3A_502 = tpu.vector_load %arg7[%parallel_loop3A_499, %parallel_loop3A_500, %parallel_loop3A_501] {strides = array<i32>} : memref<8x2x2048xf32, #tpu.memory_space<vmem>>, vector<1x1x16xf32>,
        %parallel_loop3A_503 = vector.shape_cast %parallel_loop3A_502 : vector<1x1x16xf32> to vector<16xf32>
        %parallel_loop3A_504 = arith.mulf %parallel_loop3A_496, %get3A_313 : vector<16xf32>
        %parallel_loop3A_505 = arith.mulf %parallel_loop3A_503, %get3A_324 : vector<16xf32>
        %parallel_loop3A_506 = arith.addf %parallel_loop3A_504, %parallel_loop3A_505 : vector<16xf32>
        %parallel_loop3A_507 = arith.constant 3 : i32
        %parallel_loop3A_508 = arith.index_cast %parallel_loop3A_507 : i32 to index
        %parallel_loop3A_509 = arith.index_cast %parallel_loop3A_420 : i32 to index
        %parallel_loop3A_510 = tpu.vector_load %arg9[%parallel_loop3A_508, %parallel_loop3A_509] {strides = array<i32>} : memref<8x2048xf32, #tpu.memory_space<vmem>>, vector<1x16xf32>,
        %parallel_loop3A_511 = vector.shape_cast %parallel_loop3A_510 : vector<1x16xf32> to vector<16xf32>
        %parallel_loop3A_512 = vector.shape_cast %parallel_loop3A_506 : vector<16xf32> to vector<1x16xf32>
        tpu.vector_store %arg9[%parallel_loop3A_508, %parallel_loop3A_509], %parallel_loop3A_512 {strides = array<i32>} : memref<8x2048xf32, #tpu.memory_space<vmem>>, vector<1x16xf32>,
        %parallel_loop3A_513 = arith.constant 4 : i32
        %parallel_loop3A_514 = arith.constant 0 : i32
        %parallel_loop3A_515 = arith.index_cast %parallel_loop3A_513 : i32 to index
        %parallel_loop3A_516 = arith.index_cast %parallel_loop3A_514 : i32 to index
        %parallel_loop3A_517 = arith.index_cast %parallel_loop3A_420 : i32 to index
        %parallel_loop3A_518 = tpu.vector_load %arg7[%parallel_loop3A_515, %parallel_loop3A_516, %parallel_loop3A_517] {strides = array<i32>} : memref<8x2x2048xf32, #tpu.memory_space<vmem>>, vector<1x1x16xf32>,
        %parallel_loop3A_519 = vector.shape_cast %parallel_loop3A_518 : vector<1x1x16xf32> to vector<16xf32>
        %parallel_loop3A_520 = arith.constant 4 : i32
        %parallel_loop3A_521 = arith.constant 1 : i32
        %parallel_loop3A_522 = arith.index_cast %parallel_loop3A_520 : i32 to index
        %parallel_loop3A_523 = arith.index_cast %parallel_loop3A_521 : i32 to index
        %parallel_loop3A_524 = arith.index_cast %parallel_loop3A_420 : i32 to index
        %parallel_loop3A_525 = tpu.vector_load %arg7[%parallel_loop3A_522, %parallel_loop3A_523, %parallel_loop3A_524] {strides = array<i32>} : memref<8x2x2048xf32, #tpu.memory_space<vmem>>, vector<1x1x16xf32>,
        %parallel_loop3A_526 = vector.shape_cast %parallel_loop3A_525 : vector<1x1x16xf32> to vector<16xf32>
        %parallel_loop3A_527 = arith.mulf %parallel_loop3A_519, %get3A_333 : vector<16xf32>
        %parallel_loop3A_528 = arith.mulf %parallel_loop3A_526, %get3A_344 : vector<16xf32>
        %parallel_loop3A_529 = arith.addf %parallel_loop3A_527, %parallel_loop3A_528 : vector<16xf32>
        %parallel_loop3A_530 = arith.constant 4 : i32
        %parallel_loop3A_531 = arith.index_cast %parallel_loop3A_530 : i32 to index
        %parallel_loop3A_532 = arith.index_cast %parallel_loop3A_420 : i32 to index
        %parallel_loop3A_533 = tpu.vector_load %arg9[%parallel_loop3A_531, %parallel_loop3A_532] {strides = array<i32>} : memref<8x2048xf32, #tpu.memory_space<vmem>>, vector<1x16xf32>,
        %parallel_loop3A_534 = vector.shape_cast %parallel_loop3A_533 : vector<1x16xf32> to vector<16xf32>
        %parallel_loop3A_535 = vector.shape_cast %parallel_loop3A_529 : vector<16xf32> to vector<1x16xf32>
        tpu.vector_store %arg9[%parallel_loop3A_531, %parallel_loop3A_532], %parallel_loop3A_535 {strides = array<i32>} : memref<8x2048xf32, #tpu.memory_space<vmem>>, vector<1x16xf32>,
        %parallel_loop3A_536 = arith.constant 5 : i32
        %parallel_loop3A_537 = arith.constant 0 : i32
        %parallel_loop3A_538 = arith.index_cast %parallel_loop3A_536 : i32 to index
        %parallel_loop3A_539 = arith.index_cast %parallel_loop3A_537 : i32 to index
        %parallel_loop3A_540 = arith.index_cast %parallel_loop3A_420 : i32 to index
        %parallel_loop3A_541 = tpu.vector_load %arg7[%parallel_loop3A_538, %parallel_loop3A_539, %parallel_loop3A_540] {strides = array<i32>} : memref<8x2x2048xf32, #tpu.memory_space<vmem>>, vector<1x1x16xf32>,
        %parallel_loop3A_542 = vector.shape_cast %parallel_loop3A_541 : vector<1x1x16xf32> to vector<16xf32>
        %parallel_loop3A_543 = arith.constant 5 : i32
        %parallel_loop3A_544 = arith.constant 1 : i32
        %parallel_loop3A_545 = arith.index_cast %parallel_loop3A_543 : i32 to index
        %parallel_loop3A_546 = arith.index_cast %parallel_loop3A_544 : i32 to index
        %parallel_loop3A_547 = arith.index_cast %parallel_loop3A_420 : i32 to index
        %parallel_loop3A_548 = tpu.vector_load %arg7[%parallel_loop3A_545, %parallel_loop3A_546, %parallel_loop3A_547] {strides = array<i32>} : memref<8x2x2048xf32, #tpu.memory_space<vmem>>, vector<1x1x16xf32>,
        %parallel_loop3A_549 = vector.shape_cast %parallel_loop3A_548 : vector<1x1x16xf32> to vector<16xf32>
        %parallel_loop3A_550 = arith.mulf %parallel_loop3A_542, %get3A_353 : vector<16xf32>
        %parallel_loop3A_551 = arith.mulf %parallel_loop3A_549, %get3A_364 : vector<16xf32>
        %parallel_loop3A_552 = arith.addf %parallel_loop3A_550, %parallel_loop3A_551 : vector<16xf32>
        %parallel_loop3A_553 = arith.constant 5 : i32
        %parallel_loop3A_554 = arith.index_cast %parallel_loop3A_553 : i32 to index
        %parallel_loop3A_555 = arith.index_cast %parallel_loop3A_420 : i32 to index
        %parallel_loop3A_556 = tpu.vector_load %arg9[%parallel_loop3A_554, %parallel_loop3A_555] {strides = array<i32>} : memref<8x2048xf32, #tpu.memory_space<vmem>>, vector<1x16xf32>,
        %parallel_loop3A_557 = vector.shape_cast %parallel_loop3A_556 : vector<1x16xf32> to vector<16xf32>
        %parallel_loop3A_558 = vector.shape_cast %parallel_loop3A_552 : vector<16xf32> to vector<1x16xf32>
        tpu.vector_store %arg9[%parallel_loop3A_554, %parallel_loop3A_555], %parallel_loop3A_558 {strides = array<i32>} : memref<8x2048xf32, #tpu.memory_space<vmem>>, vector<1x16xf32>,
        %parallel_loop3A_559 = arith.constant 6 : i32
        %parallel_loop3A_560 = arith.constant 0 : i32
        %parallel_loop3A_561 = arith.index_cast %parallel_loop3A_559 : i32 to index
        %parallel_loop3A_562 = arith.index_cast %parallel_loop3A_560 : i32 to index
        %parallel_loop3A_563 = arith.index_cast %parallel_loop3A_420 : i32 to index
        %parallel_loop3A_564 = tpu.vector_load %arg7[%parallel_loop3A_561, %parallel_loop3A_562, %parallel_loop3A_563] {strides = array<i32>} : memref<8x2x2048xf32, #tpu.memory_space<vmem>>, vector<1x1x16xf32>,
        %parallel_loop3A_565 = vector.shape_cast %parallel_loop3A_564 : vector<1x1x16xf32> to vector<16xf32>
        %parallel_loop3A_566 = arith.constant 6 : i32
        %parallel_loop3A_567 = arith.constant 1 : i32
        %parallel_loop3A_568 = arith.index_cast %parallel_loop3A_566 : i32 to index
        %parallel_loop3A_569 = arith.index_cast %parallel_loop3A_567 : i32 to index
        %parallel_loop3A_570 = arith.index_cast %parallel_loop3A_420 : i32 to index
        %parallel_loop3A_571 = tpu.vector_load %arg7[%parallel_loop3A_568, %parallel_loop3A_569, %parallel_loop3A_570] {strides = array<i32>} : memref<8x2x2048xf32, #tpu.memory_space<vmem>>, vector<1x1x16xf32>,
        %parallel_loop3A_572 = vector.shape_cast %parallel_loop3A_571 : vector<1x1x16xf32> to vector<16xf32>
        %parallel_loop3A_573 = arith.mulf %parallel_loop3A_565, %get3A_373 : vector<16xf32>
        %parallel_loop3A_574 = arith.mulf %parallel_loop3A_572, %get3A_384 : vector<16xf32>
        %parallel_loop3A_575 = arith.addf %parallel_loop3A_573, %parallel_loop3A_574 : vector<16xf32>
        %parallel_loop3A_576 = arith.constant 6 : i32
        %parallel_loop3A_577 = arith.index_cast %parallel_loop3A_576 : i32 to index
        %parallel_loop3A_578 = arith.index_cast %parallel_loop3A_420 : i32 to index
        %parallel_loop3A_579 = tpu.vector_load %arg9[%parallel_loop3A_577, %parallel_loop3A_578] {strides = array<i32>} : memref<8x2048xf32, #tpu.memory_space<vmem>>, vector<1x16xf32>,
        %parallel_loop3A_580 = vector.shape_cast %parallel_loop3A_579 : vector<1x16xf32> to vector<16xf32>
        %parallel_loop3A_581 = vector.shape_cast %parallel_loop3A_575 : vector<16xf32> to vector<1x16xf32>
        tpu.vector_store %arg9[%parallel_loop3A_577, %parallel_loop3A_578], %parallel_loop3A_581 {strides = array<i32>} : memref<8x2048xf32, #tpu.memory_space<vmem>>, vector<1x16xf32>,
        %parallel_loop3A_582 = arith.constant 7 : i32
        %parallel_loop3A_583 = arith.constant 0 : i32
        %parallel_loop3A_584 = arith.index_cast %parallel_loop3A_582 : i32 to index
        %parallel_loop3A_585 = arith.index_cast %parallel_loop3A_583 : i32 to index
        %parallel_loop3A_586 = arith.index_cast %parallel_loop3A_420 : i32 to index
        %parallel_loop3A_587 = tpu.vector_load %arg7[%parallel_loop3A_584, %parallel_loop3A_585, %parallel_loop3A_586] {strides = array<i32>} : memref<8x2x2048xf32, #tpu.memory_space<vmem>>, vector<1x1x16xf32>,
        %parallel_loop3A_588 = vector.shape_cast %parallel_loop3A_587 : vector<1x1x16xf32> to vector<16xf32>
        %parallel_loop3A_589 = arith.constant 7 : i32
        %parallel_loop3A_590 = arith.constant 1 : i32
        %parallel_loop3A_591 = arith.index_cast %parallel_loop3A_589 : i32 to index
        %parallel_loop3A_592 = arith.index_cast %parallel_loop3A_590 : i32 to index
        %parallel_loop3A_593 = arith.index_cast %parallel_loop3A_420 : i32 to index
        %parallel_loop3A_594 = tpu.vector_load %arg7[%parallel_loop3A_591, %parallel_loop3A_592, %parallel_loop3A_593] {strides = array<i32>} : memref<8x2x2048xf32, #tpu.memory_space<vmem>>, vector<1x1x16xf32>,
        %parallel_loop3A_595 = vector.shape_cast %parallel_loop3A_594 : vector<1x1x16xf32> to vector<16xf32>
        %parallel_loop3A_596 = arith.mulf %parallel_loop3A_588, %get3A_393 : vector<16xf32>
        %parallel_loop3A_597 = arith.mulf %parallel_loop3A_595, %get3A_404 : vector<16xf32>
        %parallel_loop3A_598 = arith.addf %parallel_loop3A_596, %parallel_loop3A_597 : vector<16xf32>
        %parallel_loop3A_599 = arith.constant 7 : i32
        %parallel_loop3A_600 = arith.index_cast %parallel_loop3A_599 : i32 to index
        %parallel_loop3A_601 = arith.index_cast %parallel_loop3A_420 : i32 to index
        %parallel_loop3A_602 = tpu.vector_load %arg9[%parallel_loop3A_600, %parallel_loop3A_601] {strides = array<i32>} : memref<8x2048xf32, #tpu.memory_space<vmem>>, vector<1x16xf32>,
        %parallel_loop3A_603 = vector.shape_cast %parallel_loop3A_602 : vector<1x16xf32> to vector<16xf32>
        %parallel_loop3A_604 = vector.shape_cast %parallel_loop3A_598 : vector<16xf32> to vector<1x16xf32>
        tpu.vector_store %arg9[%parallel_loop3A_600, %parallel_loop3A_601], %parallel_loop3A_604 {strides = array<i32>} : memref<8x2048xf32, #tpu.memory_space<vmem>>, vector<1x16xf32>,
      } {sc.loop_unroll_factor = 2 : i64, sc.parallel_access}
      %mul3A_408 = arith.constant 8 : i32
      %mul3A_409 = arith.muli %add3A_229, %mul3A_408 : i32
      %add3A_410 = arith.addi %mul3A_2, %mul3A_409 : i32
      %dma_start3A_411 = arith.constant 0 : i32
      %dma_start3A_412 = tpu.memref_slice %arg4[%add3A_410, %dma_start3A_411] : memref<8192x2048xf32, #tpu.memory_space<hbm>> -> memref<8x2048xf32, #tpu.memory_space<hbm>>
      %dma_start3A_413 = arith.constant 0 : i32
      %dma_start3A_414 = tpu.memref_slice %arg4[%add3A_410, %dma_start3A_413] : memref<8192x2048xf32, #tpu.memory_space<hbm>> -> memref<8x2048xf32, #tpu.memory_space<hbm>>
      tpu.enqueue_dma source(%arg9 : memref<8x2048xf32, #tpu.memory_space<vmem>>) target(%dma_start3A_414 : memref<8x2048xf32, #tpu.memory_space<hbm>>) target_semaphore(%arg13 : memref<!tpu.dma_semaphore, #tpu.memory_space<semaphore_mem>>)
      %lt3A_415 = arith.constant 15 : i32
      %lt3A_416 = arith.cmpi slt, %scan3A_37, %lt3A_415 : i32
      %convert_element_type3A_417 = arith.extui %lt3A_416 : i1 to i32
      %cond3A_418 = arith.constant 0 : i32
      %cond3A_419 = arith.cmpi ne, %convert_element_type3A_417, %cond3A_418 : i32
      scf.if %cond3A_419 {
        %add3A_420 = arith.constant 2 : i32
        %add3A_421 = arith.addi %add3A_229, %add3A_420 : i32
        %mul3A_422 = arith.constant 8 : i32
        %mul3A_423 = arith.muli %add3A_421, %mul3A_422 : i32
        %add3A_424 = arith.addi %mul3A_2, %mul3A_423 : i32
        %dma_start3A_425 = arith.constant 0 : i32
        %dma_start3A_426 = arith.constant 0 : i32
        %dma_start3A_427 = tpu.memref_slice %arg2[%add3A_424, %dma_start3A_425, %dma_start3A_426] : memref<8192x2x2048xf32, #tpu.memory_space<hbm>> -> memref<8x2x2048xf32, #tpu.memory_space<hbm>>
        %dma_start3A_428 = arith.constant 0 : i32
        %dma_start3A_429 = arith.constant 0 : i32
        %dma_start3A_430 = tpu.memref_slice %arg2[%add3A_424, %dma_start3A_428, %dma_start3A_429] : memref<8192x2x2048xf32, #tpu.memory_space<hbm>> -> memref<8x2x2048xf32, #tpu.memory_space<hbm>>
        tpu.enqueue_dma source(%dma_start3A_430 : memref<8x2x2048xf32, #tpu.memory_space<hbm>>) target(%arg7 : memref<8x2x2048xf32, #tpu.memory_space<vmem>>) target_semaphore(%arg11 : memref<!tpu.dma_semaphore, #tpu.memory_space<semaphore_mem>>)
      } else {
      }
    }
    %scan3A_25 = arith.constant 16 : i32
    %dma_wait3A = arith.constant 0 : i32
    %dma_wait3A_26 = arith.constant 0 : i32
    %dma_wait3A_27 = tpu.memref_slice %arg4[%dma_wait3A, %dma_wait3A_26] : memref<8192x2048xf32, #tpu.memory_space<hbm>> -> memref<8x2048xf32, #tpu.memory_space<hbm>>
    %dma_wait3A_28 = arith.constant 0 : i32
    %dma_wait3A_29 = arith.constant 0 : i32
    %dma_wait3A_30 = tpu.memref_slice %arg4[%dma_wait3A_28, %dma_wait3A_29] : memref<8192x2048xf32, #tpu.memory_space<hbm>> -> memref<8x2048xf32, #tpu.memory_space<hbm>>
    tpu.wait_dma2 semaphore(%arg12 : memref<!tpu.dma_semaphore, #tpu.memory_space<semaphore_mem>>) src(%arg8 : memref<8x2048xf32, #tpu.memory_space<vmem>>) dst(%dma_wait3A_30 : memref<8x2048xf32, #tpu.memory_space<hbm>>)
    %dma_wait3A_31 = arith.constant 0 : i32
    %dma_wait3A_32 = arith.constant 0 : i32
    %dma_wait3A_33 = tpu.memref_slice %arg4[%dma_wait3A_31, %dma_wait3A_32] : memref<8192x2048xf32, #tpu.memory_space<hbm>> -> memref<8x2048xf32, #tpu.memory_space<hbm>>
    %dma_wait3A_34 = arith.constant 0 : i32
    %dma_wait3A_35 = arith.constant 0 : i32
    %dma_wait3A_36 = tpu.memref_slice %arg4[%dma_wait3A_34, %dma_wait3A_35] : memref<8192x2048xf32, #tpu.memory_space<hbm>> -> memref<8x2048xf32, #tpu.memory_space<hbm>>
    tpu.wait_dma2 semaphore(%arg13 : memref<!tpu.dma_semaphore, #tpu.memory_space<semaphore_mem>>) src(%arg9 : memref<8x2048xf32, #tpu.memory_space<vmem>>) dst(%dma_wait3A_36 : memref<8x2048xf32, #tpu.memory_space<hbm>>)
    return
  }
}

</mosaic_0001>

<sc_bundles>
// kernel: kernel.3.cloned.1.call-start
scs
__scs_entry_jumppad:
0x0: {  	(pc) =	sbr.rel $0x88, $3  }
0x1: {  	(tag) =	ssettag $0x0;
	lr =	simm.s32 $0x1  }
0x2: {  	[smem:$0x3F9F] =	sst lr;
	_ =	strace $0xD0000000  }
0x3: {  	_ = 	snop  }
0x4: {  	_ = 	snop  }
0x5: {  	_ = 	snop  }
0x6: {  	_ = 	snop  }
0x7: {  	_ = 	snop  }
__scs_overlays_trampoline_lowered:
0x8: {  	[smem:$0x3FAE] =	sst s0  }
0x9: {  	[smem:$0x3FAF] =	sst s1  }
0xa: {  	[smem:$0x3FB0] =	sst s2  }
0xb: {  	[smem:$0x3FB1] =	sst s3  }
0xc: {  	[smem:$0x3FB2] =	sst s4  }
0xd: {  	[smem:$0x3FB3] =	sst s5  }
0xe: {  	[smem:$0x3FB4] =	sst s6  }
0xf: {  	[smem:$0x3FB5] =	sst s7  }
0x10: {  	[smem:$0x3FB6] =	sst s8  }
0x11: {  	[smem:$0x3FB7] =	sst s9;
	s0 =	simm.s32 @!p0 $0x0  }
0x12: {  	s1 =	sld [smem:$0x3F9D];
	s0 =	simm.s32 @p0 $0x1  }
0x13: {  	[smem:$0x3FB8] =	sst s0;
	s0 =	simm.s32 @!p1 $0x0  }
0x14: {  	s2 =	sld [smem:$0x3F9C];
	s0 =	simm.s32 @p1 $0x1  }
0x15: {  	[smem:$0x3FB9] =	sst s0;
	s0 =	simm.s32 @!p2 $0x0  }
0x16: {  	s3 =	sld [smem:$0x3FDB];
	s0 =	simm.s32 @p2 $0x1  }
0x17: {  	s4 =	simm.s32 $0x1BF5;
	[smem:$0x3FBB] =	sst s0  }
0x18: {  	s0 =	sld [smem:$0x3F9E];
	_ =	swait.ge [sflag:s4], $0x0  }
0x19: {  	s7 =	sld [smem:$0x3F9F]  }
0x1a: {  	s8 =	sadd.s32 $0xFFFFE003, lr  }
0x1b: {  	s9 =	sadd.s32 $0xFFFFFEF7, lr;
	s5 =	simm.s32 $0xFFFFFFFF;
	p2 =	slt.u32 s8, $0xFFFFF086  }
0x1c: {  	p1 =	slt.u32 s9, $0xF7A;
	s5 =	simm.s32 @!p2 $0x0  }
0x1d: {  	s5 =	simm.s32 @p1 $0x1;
	p0 =	seq.s32 s7, s2  }
0x1e: {  	s7 =	smul.u32 @!p0 $0xF7A, s2;
	p2 =	seq.s32 @!p0 s5, $0x0  }
0x1f: {  	s9 =	smul.u32 $0xF7A, s1;
	s8 =	simm.s32 @!p0 $0x1BF5;
	p2 =	por !p2, p0  }
0x20: {  	[sflag:s8] =	ssyncset.s32 @!p0 $0xFFFFF086;
	s6 =	sadd.s32 @!p0 s3, s7;
	s7 =	simm.s32 @!p0 $0x108  }
0x21: {  	s3 =	sadd.s32 s3, s9;
	s6 =	sadd.s32 @!p0 $0x88, s6;
	s7 =	simm.s32 @p2 $0x1082  }
0x22: {  	[simem:s7], [sflag:s8] =	dma.local @!p0 [hbm:s6], $0xF7A  }
0x23: {  	s9 =	sor.u32 $0xD0000000, s2;
	s6 =	simm.s32 $0x108;
	_ =	swait.ge @!p0 [sflag:s8], $0x0  }
0x24: {  	s3 =	sadd.s32 $0x88, s3;
	s6 =	simm.s32 @!p1 $0x1082;
	[sflag:s4] =	ssyncset.s32 $0xFFFFF086  }
0x25: {  	[simem:s6], [sflag:s4] =	dma.local [hbm:s3], $0xF7A  }
0x26: {  	[smem:$0x3F9F] =	sst s1;
	(tag) =	ssettag s2;
	_ =	strace s9  }
0x27: {  	s1 =	sld [smem:$0x3FAF]  }
0x28: {  	s2 =	sld [smem:$0x3FB0]  }
0x29: {  	s4 =	sld [smem:$0x3FB2]  }
0x2a: {  	p0 =	seq.s32 s5, $0x0;
	s5 =	sld [smem:$0x3FB3]  }
0x2b: {  	s6 =	sld [smem:$0x3FB4]  }
0x2c: {  	s7 =	sld [smem:$0x3FB5]  }
0x2d: {  	s3 =	simm.s32 $0x108;
	s8 =	sld [smem:$0x3FB6]  }
0x2e: {  	s3 =	simm.s32 @!p0 $0x1082;
	s9 =	sld [smem:$0x3FB7]  }
0x2f: {  	lr =	sadd.s32 s0, s3;
	s0 =	sld [smem:$0x3FAE]  }
0x30: {  	s3 =	sld [smem:$0x3FB1]  }
0x31: {  	[smem:$0x3FBA] =	sst s10  }
0x32: {  	s10 =	sld [smem:$0x3FB8];
	_ =	sdelay $0x3  }
0x33: {  	p0 =	seq.s32 s10, $0x1;
	s10 =	sld [smem:$0x3FBA];
	_ =	sdelay $0x3  }
0x34: {  	[smem:$0x3FBA] =	sst s10  }
0x35: {  	s10 =	sld [smem:$0x3FB9];
	_ =	sdelay $0x3  }
0x36: {  	p1 =	seq.s32 s10, $0x1;
	s10 =	sld [smem:$0x3FBA];
	_ =	sdelay $0x3  }
0x37: {  	[smem:$0x3FBA] =	sst s10  }
0x38: {  	s10 =	sld [smem:$0x3FBB]  }
0x39: {  	_ = 	snop;
	(pc) =	sbr.ind lr, $3  }
0x3a: {  	_ = 	snop  }
0x3b: {  	_ = 	snop  }
0x3c: {  	p2 =	seq.s32 s10, $0x1;
	s10 =	sld [smem:$0x3FBA]  }
0x3d: {  	_ =	shalt  }
0x3e: {  	_ =	shalt  }
0x3f: {  	_ =	shalt  }
0x40: {  	_ =	shalt  }
0x41: {  	_ =	shalt  }
0x42: {  	_ =	shalt  }
0x43: {  	_ =	shalt  }
0x44: {  	_ =	shalt  }
0x45: {  	_ =	shalt  }
0x46: {  	_ =	shalt  }
0x47: {  	_ =	shalt  }
0x48: {  	_ =	shalt  }
0x49: {  	_ =	shalt  }
0x4a: {  	_ =	shalt  }
0x4b: {  	_ =	shalt  }
0x4c: {  	_ =	shalt  }
0x4d: {  	_ =	shalt  }
0x4e: {  	_ =	shalt  }
0x4f: {  	_ =	shalt  }
0x50: {  	_ =	shalt  }
0x51: {  	_ =	shalt  }
0x52: {  	_ =	shalt  }
0x53: {  	_ =	shalt  }
0x54: {  	_ =	shalt  }
0x55: {  	_ =	shalt  }
0x56: {  	_ =	shalt  }
0x57: {  	_ =	shalt  }
0x58: {  	_ =	shalt  }
0x59: {  	_ =	shalt  }
0x5a: {  	_ =	shalt  }
0x5b: {  	_ =	shalt  }
0x5c: {  	_ =	shalt  }
0x5d: {  	_ =	shalt  }
0x5e: {  	_ =	shalt  }
0x5f: {  	_ =	shalt  }
0x60: {  	_ =	shalt  }
0x61: {  	_ =	shalt  }
0x62: {  	_ =	shalt  }
0x63: {  	_ =	shalt  }
0x64: {  	_ =	shalt  }
0x65: {  	_ =	shalt  }
0x66: {  	_ =	shalt  }
0x67: {  	_ =	shalt  }
0x68: {  	_ =	shalt  }
0x69: {  	_ =	shalt  }
0x6a: {  	_ =	shalt  }
0x6b: {  	_ =	shalt  }
0x6c: {  	_ =	shalt  }
0x6d: {  	_ =	shalt  }
0x6e: {  	_ =	shalt  }
0x6f: {  	_ =	shalt  }
0x70: {  	_ =	shalt  }
0x71: {  	_ =	shalt  }
0x72: {  	_ =	shalt  }
0x73: {  	_ =	shalt  }
0x74: {  	_ =	shalt  }
0x75: {  	_ =	shalt  }
0x76: {  	_ =	shalt  }
0x77: {  	_ =	shalt  }
0x78: {  	_ =	shalt  }
0x79: {  	_ =	shalt  }
0x7a: {  	_ =	shalt  }
0x7b: {  	_ =	shalt  }
0x7c: {  	_ =	shalt  }
0x7d: {  	_ =	shalt  }
0x7e: {  	_ =	shalt  }
0x7f: {  	_ =	shalt  }
0x80: {  	_ =	shalt  }
0x81: {  	_ =	shalt  }
0x82: {  	_ =	shalt  }
0x83: {  	_ =	shalt  }
0x84: {  	_ =	shalt  }
0x85: {  	_ =	shalt  }
0x86: {  	_ =	shalt  }
0x87: {  	_ =	shalt  }
.Lfunc_end0:
.L_simem_size_0:
called_computation_lowered:
.L_overlay_start_0:
0x88: {  	s2 =	sld [smem:$0x3FD9]  }
0x89: {  	s3 =	sld [smem:$0x3FFE];
	_ =	sdelay $0x1  }
0x8a: {  	s1 =	srdreg.scid  }
0x8b: {  	s0 =	sand.u32 $0x1, s1  }
0x8c: {  	s17 =	sshll.u32 s0, $0xA;
	s2 =	sadd.s32 s3, s2  }
0x8d: {  	s2 =	sadd.s32 s2, s17  }
0x8e: {  	[smem:$0x3FC6] =	sst s2  }
0x8f: {  	_ = 	snop  }
0x90: {  	s2 =	sld [smem:$0x3FC9]  }
0x91: {  	s18 =	sld [smem:$0x3FD0];
	(tm) =	ssettm $0x1  }
0x92: {  	s4 =	sld [smem:$0x3FFB];
	_ =	sdelay $0x3  }
0x93: {  	_ =	strace s4  }
0x94: {  	s4 =	sld [smem:$0x3FFC];
	_ =	sdelay $0x3  }
0x95: {  	_ =	strace s4  }
0x96: {  	s4 =	sld [smem:$0x3FFD];
	_ =	sdelay $0x3  }
0x97: {  	_ =	strace s4  }
0x98: {  	_ =	strace $0x8FFFFFFF  }
0x99: {  	s19 =	sld [smem:$0x3FDB];
	_ =	sdelay $0x1  }
0x9a: {  	s5 =	simm.s32 $_scs_section_size  }
0x9b: {  	s6 =	simm.s32 $_size__tile_overlayer_lowered;
	s7 =	simm.s32 $_tile_overlayer_lowered  }
0x9c: {  	s22 =	simm.s32 $0x1BFF;
	s21 =	sshll.u32 s7, $0x1;
	s4 =	sadd.s32 s5, s19  }
0x9d: {  	s8 =	simm.s32 $0x0;
	s20 =	sshll.u32 s6, $0x1;
	s6 =	sadd.s32 s21, s4  }
0x9e: {  	[timem:s8], [sflag:s22] =	dma.local [hbm:s6], s20  }
0x9f: {  	_ =	swait.ge [sflag:s22], s20  }
0xa0: {  	s5 =	ssub.s32 $0x0, s20;
	[sflag:s22] =	ssyncset.done $0x0  }
0xa1: {  	[sflag:s22] =	ssyncadd.s32 s5;
	_ =	sdelay $0x1  }
0xa2: {  	s23 =	simm.s32 $0x1B8B  }
0xa3: {  	_ =	swait.ge [sflag:s23], $0x1  }
0xa4: {  	[sflag:s23] =	ssyncset.done $0x0  }
0xa5: {  	s25 =	simm.s32 $0x1B8E;
	s24 =	sld [smem:$0x3FFE];
	[sflag:s23] =	ssyncadd.s32 $0xFFFFFFFF  }
0xa6: {  	s26 =	simm.s32 $execute0_lowered;
	[smem:$0x3FD2] =	sst s25  }
0xa7: {  	s6 =	sshll.u32 s26, $0x1;
	_ =	strace $0x80000046;
	[dreg:$0x1] =	wrdreg $0xFFFFFFFF  }
0xa8: {  	s28 =	simm.s32 $_size_execute0_lowered;
	s4 =	sadd.s32 s4, s6;
	[dreg:$0x0] =	wrdreg $0x0  }
0xa9: {  	s6 =	sshll.u32 s28, $0x1;
	[dreg:$0x2] =	wrdreg s4  }
0xaa: {  	[dreg:$0x3] =	wrdreg s6  }
0xab: {  	[dreg:$0x4] =	wrdreg $0xC0  }
0xac: {  	_ =	task [dreg:s8], $0x5FFFF  }
0xad: {  	[dreg:$0x1] =	wrdreg $0xFFFFFFFF  }
0xae: {  	[dreg:$0x0] =	wrdreg $0x60  }
0xaf: {  	[dreg:$0x2] =	wrdreg s2  }
0xb0: {  	[dreg:$0x3] =	wrdreg s24  }
0xb1: {  	[dreg:$0x4] =	wrdreg s18  }
0xb2: {  	[dreg:$0x5] =	wrdreg $0x9  }
0xb3: {  	_ =	task.clear_ibuf [dreg:s8], $0x6FFFF;
	_ =	strace $0x90000046  }
0xb4: {  	s29 =	simm.s32 $0x9;
	_ =	strace $0x80000048  }
0xb5: {  	_ =	swait.ge [sflag:s29], $0x1  }
0xb6: {  	[sflag:s29] =	ssyncadd.s32 $0xFFFFFFFF  }
0xb7: {  	_ =	strace $0x90000048  }
0xb8: {  	_ =	sfence  }
0xb9: {  	s30 =	sld [smem:$0x0];
	_ =	sdelay $0x2  }
0xba: {  	s31 =	sshll.u32 s1, $0xD;
	s1 =	sshrl.u32 s1, $0x2  }
0xbb: {  	s3 =	sand.u32 $0x4000, s31;
	s1 =	sadd.s32 s1, s30  }
0xbc: {  	s0 =	sor.u32 s3, s0;
	s1 =	sshll.u32 s1, $0x11  }
0xbd: {  	s0 =	sor.u32 s1, s0  }
0xbe: {  	s0 =	sadd.s32 $0x8F2B, s0  }
0xbf: {  	[sflag:s0] =	ssyncadd.remote.s32 $0x1  }
0xc0: {  	_ =	sfence.sel $0xFFFF  }
0xc1: {  	[dreg:$0x0] =	wrdreg $0xFFFFFFFF;
	(pc) =	sbr.abs _section_cstart, $3  }
0xc2: {  	[dreg:$0x1] =	wrdreg $0xFFFFFFFF  }
0xc3: {  	_ =	task.clear_ibuf [dreg:s8], $0x2FFFF;
	_ =	strace $0x9FFFFFFF  }
0xc4: {  	(tm) =	ssettm $0x7FFFFFFF  }
0xc5: {  	_ =	shalt  }
tec
execute0_lowered:
.L_overlay_start_1:
0x0: {  	(tag) =	ssettag $0x1  }
0x1: {  	s0 =	rddreg [dreg:$0x0]  }
0x2: {  	s1 =	rddreg [dreg:$0x1]  }
0x3: {  	s3 =	rddreg [dreg:$0x2]  }
0x4: {  	s4 =	srdreg.scid;
	s2 =	stileid.u32  }
0x5: {  	s4 =	sand.u32 $0x1, s4;
	s5 =	sshll.u32 s2, $0x1;
	s2 =	simm.s32 $0x0  }
0x6: {  	[smem:$0x7FF] =	sst s2;
	s5 =	sor.u32 s4, s5;
	s4 =	ssub.s32 $0x2, s4  }
0x7: {  	_ =	strace $0x80000047;
	s6 =	sshll.u32 s5, $0xA;
	s24 =	sshll.u32 s5, $0x11  }
0x8: {  	s7 =	sshrl.u32 s4, $0x1;
	s1 =	sadd.s32 s6, s1;
	s25 =	sadd.s32 s0, s24  }
0x9: {  	s4 =	ssub.s32 s4, s7;
	s1 =	sadd.s32 $0x400, s1;
	[dreg:$0x5] =	wrdreg s25  }
.Ltmp0:
0xa: {  	s28 =	sadd.s32 $0x1000, s25;
	[dreg:$0x4] =	wrdreg s1;
	(pc) =	sbr.rel .LBB2_1-.Ltmp0, $4  }
0xb: {  	s29 =	smax.u32 s4, $0x1;
	[dreg:$0x6] =	wrdreg s28  }
0xc: {  	s30 =	sadd.s32 $0x2000, s25;
	[dreg:$0x7] =	wrdreg s29  }
0xd: {  	s26 =	sshll.u32 s5, $0x10;
	s31 =	sadd.s32 $0x3000, s25;
	[dreg:$0x8] =	wrdreg s30  }
0xe: {  	s6 =	sadd.s32 s3, s26;
	s3 =	simm.s32 $0x0;
	[dreg:$0x9] =	wrdreg s31  }
.LBB2_8:
0xf: {  	s0 =	simm.s32 $0x3  }
0x10: {  	_ =	swait.ge [sflag:s0], $0x4000  }
0x11: {  	[sflag:s0] =	ssyncset.done $0x0  }
0x12: {  	s1 =	simm.s32 $0x4;
	[sflag:s0] =	ssyncadd.s32 $0xFFFFC000  }
0x13: {  	_ =	swait.ge [sflag:s1], $0x4000  }
0x14: {  	s3 =	rddreg [dreg:$0xa]  }
0x15: {  	s31 =	rddreg [dreg:$0x7];
	s3 =	sadd.s32 $0x1, s3  }
0x16: {  	p0 =	sne.s32 s3, s31  }
.Ltmp1:
0x17: {  	_ = 	snop;
	(pc) =	sbr.rel @!p0 .LBB2_9-.Ltmp1, $3  }
0x18: {  	_ =	sdelay $0x1  }
0x19: {  	[sflag:s1] =	ssyncset.done $0x0  }
0x1a: {  	[sflag:s1] =	ssyncadd.s32 $0xFFFFC000  }
.LBB2_1:
0x1b: {  	[dreg:$0xa] =	wrdreg s3  }
0x1c: {  	s0 =	rddreg [dreg:$0x4];
	s28 =	simm.s32 $0x5  }
0x1d: {  	[tilespmem:s2], [sflag:$0x5] =	stream.linear.gather [hbm4b:s0+s2], $0x2000, $0x38;
	[tilespmem:$0x1A000] =	vst v63  }
0x1e: {  	_ =	swait.ge [sflag:s28], $0x2000  }
0x1f: {  	[sflag:s28] =	ssyncset.done $0x0  }
0x20: {  	s1 =	simm.s32 $0x2000;
	s29 =	rddreg [dreg:$0x5];
	[sflag:s28] =	ssyncadd.s32 $0xFFFFE000  }
0x21: {  	[tilespmem:s1], [sflag:$0x1] =	stream.linear.gather [hbm4b:s29+s2], $0x8000, $0x38;
	[tilespmem:$0x1A000] =	vst v63  }
0x22: {  	s31 =	simm.s32 $0xA000;
	s20 =	simm.s32 $0x0;
	s30 =	rddreg [dreg:$0x6]  }
0x23: {  	[tilespmem:s31], [sflag:$0x2] =	stream.linear.gather [hbm4b:s30+s2], $0x8000, $0x38;
	[tilespmem:$0x1A000] =	vst v63  }
.LBB2_2:
0x24: {  	s0 =	simm.s32 $0x1  }
0x25: {  	_ =	swait.ge [sflag:s0], $0x8000  }
0x26: {  	p0 =	seq.s32 s20, $0x0;
	[sflag:s0] =	ssyncset.done $0x0  }
0x27: {  	[sflag:s0] =	ssyncadd.s32 $0xFFFF8000;
	s0 =	simm.s32 @!p0 $0x3  }
0x28: {  	_ =	swait.ge @!p0 [sflag:s0], $0x4000  }
0x29: {  	s1 =	sshll.u32 s20, $0x9;
	[sflag:s0] =	ssyncset.done @!p0 $0x0  }
0x2a: {  	s13 =	sand.u32 $0x3FFFFE00, s1;
	[sflag:s0] =	ssyncadd.s32 @!p0 $0xFFFFC000  }
0x2b: {  	v12 =	vld [tilespmem:s13+$0x0]  }
0x2c: {  	v13 =	vld [tilespmem:s13+$0x10]  }
0x2d: {  	v14 =	vld [tilespmem:s13+$0x20]  }
0x2e: {  	v15 =	vld [tilespmem:s13+$0x30]  }
0x2f: {  	v11 =	vld [tilespmem:s13+$0x40]  }
0x30: {  	s14 =	simm.s32 $0x0;
	s3 =	simm.s32 $0x0;
	v10 =	vld [tilespmem:s13+$0x50]  }
0x31: {  	s1 =	sand.u32 $0x60, s14;
	s5 =	sand.u32 $0xFFFFFF00, s3;
	v8 =	vld [tilespmem:s13+$0x60]  }
0x32: {  	s3 =	sadd.s32 $0x2000, s5;
	s4 =	sor.u32 $0x10, s1;
	v9 =	vld [tilespmem:s13+$0x70]  }
0x33: {  	s7 =	sor.u32 s4, s3;
	v7 =	vld [tilespmem:s13+$0x80]  }
0x34: {  	v0 =	vld [tilespmem:s7+$0x0]  }
0x35: {  	v1 =	vld [tilespmem:s7+$0x80]  }
0x36: {  	v6 =	vld [tilespmem:s13+$0x90]  }
0x37: {  	v5 =	vld [tilespmem:s13+$0xA0]  }
0x38: {  	s3 =	sor.u32 s1, s3;
	v4 =	vld [tilespmem:s13+$0xB0]  }
0x39: {  	v16 =	vld [tilespmem:s3+$0x0]  }
0x3a: {  	s15 =	simm.s32 $0x0;
	v18 =	vld [tilespmem:s3+$0x80];
	v17 =	vmul.f32 v0, v12;
	v1 =	vmul.f32 v1, v13  }
0x3b: {  	s16 =	sand.u32 $0x3FFFFC00, s15;
	v2 =	vld [tilespmem:s13+$0xC0]  }
0x3c: {  	v3 =	vld [tilespmem:s13+$0xD0];
	s7 =	sadd.s32 $0x12000, s16;
	v17 =	vadd.f32 v1, v17  }
0x3d: {  	s17 =	sadd.s32 $0x3000, s5;
	s3 =	sor.u32 s4, s7;
	v0 =	vld [tilespmem:s13+$0xE0]  }
0x3e: {  	s9 =	sadd.s32 $0x3080, s5;
	s10 =	sor.u32 s4, s17;
	v1 =	vld [tilespmem:s13+$0xF0];
	[tilespmem:s3+$0x0] =	vst v17  }
0x3f: {  	s18 =	sor.u32 s4, s9;
	v16 =	vmul.f32 v16, v12;
	v18 =	vmul.f32 v18, v13;
	v17 =	vld [tilespmem:s10+$0x0]  }
0x40: {  	v19 =	vld [tilespmem:s18+$0x0]  }
0x41: {  	v16 =	vadd.f32 v18, v16  }
0x42: {  	s21 =	sor.u32 s1, s7  }
0x43: {  	s0 =	sor.u32 s1, s17;
	[tilespmem:s21+$0x0] =	vst v16  }
0x44: {  	s19 =	sor.u32 s1, s9;
	v16 =	vld [tilespmem:s0+$0x0]  }
0x45: {  	v18 =	vld [tilespmem:s19+$0x0];
	v17 =	vmul.f32 v17, v14;
	v19 =	vmul.f32 v19, v15;
	_ =	sdelay $0x1  }
0x46: {  	v17 =	vadd.f32 v19, v17  }
0x47: {  	s22 =	sadd.s32 $0x4000, s5  }
0x48: {  	s23 =	sadd.s32 $0x4080, s5;
	s24 =	sor.u32 s4, s22;
	[tilespmem:s3+$0x80] =	vst v17  }
0x49: {  	s25 =	sor.u32 s4, s23;
	v16 =	vmul.f32 v16, v14;
	v17 =	vmul.f32 v18, v15;
	v18 =	vld [tilespmem:s24+$0x0]  }
0x4a: {  	v19 =	vld [tilespmem:s25+$0x0]  }
0x4b: {  	v16 =	vadd.f32 v17, v16;
	_ =	sdelay $0x1  }
0x4c: {  	s26 =	simm.s32 $0x20;
	s8 =	simm.s32 $0x40;
	s0 =	sor.u32 s1, s22;
	[tilespmem:s21+$0x80] =	vst v16  }
0x4d: {  	s11 =	sor.u32 s1, s23;
	s7 =	sand.u32 $0x60, s26;
	v16 =	vld [tilespmem:s0+$0x0];
	s0 =	sand.u32 $0xFFFFFF00, s8  }
0x4e: {  	s17 =	sor.u32 $0x10, s7;
	v17 =	vld [tilespmem:s11+$0x0];
	v18 =	vmul.f32 v18, v11;
	v19 =	vmul.f32 v19, v10;
	s11 =	sadd.s32 $0x2000, s0  }
0x4f: {  	s12 =	sor.u32 s17, s11  }
0x50: {  	v18 =	vadd.f32 v19, v18;
	v19 =	vld [tilespmem:s12+$0x0]  }
0x51: {  	s13 =	sadd.s32 $0x5000, s5;
	v20 =	vld [tilespmem:s12+$0x80]  }
0x52: {  	s14 =	sadd.s32 $0x5080, s5;
	s12 =	sor.u32 s4, s13;
	[tilespmem:s3+$0x100] =	vst v18  }
0x53: {  	s15 =	sor.u32 s4, s14;
	v16 =	vmul.f32 v16, v11;
	v17 =	vmul.f32 v17, v10;
	v18 =	vld [tilespmem:s12+$0x0]  }
0x54: {  	s9 =	sor.u32 s7, s11;
	v21 =	vld [tilespmem:s15+$0x0]  }
0x55: {  	v22 =	vld [tilespmem:s9+$0x80];
	v16 =	vadd.f32 v17, v16  }
0x56: {  	v17 =	vld [tilespmem:s9+$0x0];
	v19 =	vmul.f32 v19, v12;
	v20 =	vmul.f32 v20, v13  }
0x57: {  	s16 =	simm.s32 $0x100;
	s18 =	sor.u32 s1, s13;
	[tilespmem:s21+$0x100] =	vst v16  }
0x58: {  	s19 =	sand.u32 $0x3FFFFC00, s16;
	s22 =	sor.u32 s1, s14;
	v16 =	vadd.f32 v20, v19;
	v19 =	vld [tilespmem:s18+$0x0]  }
0x59: {  	s11 =	sadd.s32 $0x12000, s19;
	v18 =	vmul.f32 v18, v8;
	v20 =	vmul.f32 v21, v9;
	v21 =	vld [tilespmem:s22+$0x0]  }
0x5a: {  	s23 =	sadd.s32 $0x3000, s0;
	s10 =	sor.u32 s17, s11  }
0x5b: {  	s24 =	sadd.s32 $0x3080, s0;
	s14 =	sor.u32 s17, s23;
	[tilespmem:s10+$0x0] =	vst v16;
	v17 =	vmul.f32 v17, v12;
	v16 =	vadd.f32 v20, v18;
	v20 =	vmul.f32 v22, v13  }
0x5c: {  	s16 =	sadd.s32 $0x6000, s5;
	s25 =	sor.u32 s17, s24;
	v18 =	vld [tilespmem:s14+$0x0]  }
0x5d: {  	s26 =	sadd.s32 $0x6080, s5;
	s18 =	sor.u32 s4, s16;
	v22 =	vld [tilespmem:s25+$0x0];
	[tilespmem:s3+$0x180] =	vst v16;
	v16 =	vadd.f32 v20, v17  }
0x5e: {  	s8 =	sor.u32 s4, s26;
	s22 =	sor.u32 s7, s11;
	v17 =	vmul.f32 v19, v8;
	v19 =	vld [tilespmem:s18+$0x0];
	v20 =	vmul.f32 v21, v9  }
0x5f: {  	s9 =	sor.u32 s7, s23;
	v21 =	vld [tilespmem:s8+$0x0];
	[tilespmem:s22+$0x0] =	vst v16  }
0x60: {  	s13 =	sor.u32 s7, s24;
	v16 =	vadd.f32 v20, v17;
	v17 =	vld [tilespmem:s9+$0x0]  }
0x61: {  	v20 =	vld [tilespmem:s13+$0x0]  }
0x62: {  	v18 =	vmul.f32 v18, v14;
	v22 =	vmul.f32 v22, v15  }
0x63: {  	s15 =	sor.u32 s1, s16;
	[tilespmem:s21+$0x180] =	vst v16  }
0x64: {  	s16 =	sor.u32 s1, s26;
	v18 =	vadd.f32 v22, v18;
	v16 =	vld [tilespmem:s15+$0x0]  }
0x65: {  	s18 =	sadd.s32 $0x4000, s0;
	v22 =	vld [tilespmem:s16+$0x0];
	v19 =	vmul.f32 v19, v7;
	v21 =	vmul.f32 v21, v6  }
0x66: {  	s19 =	sadd.s32 $0x4080, s0;
	s23 =	sor.u32 s17, s18;
	[tilespmem:s10+$0x80] =	vst v18;
	v17 =	vmul.f32 v17, v14;
	v18 =	vmul.f32 v20, v15  }
0x67: {  	s24 =	sor.u32 s17, s19;
	v20 =	vld [tilespmem:s23+$0x0];
	v19 =	vadd.f32 v21, v19  }
0x68: {  	s25 =	sadd.s32 $0x7000, s5;
	v21 =	vld [tilespmem:s24+$0x0];
	v17 =	vadd.f32 v18, v17  }
0x69: {  	s11 =	sor.u32 s7, s19;
	s14 =	sadd.s32 $0x7080, s5;
	s26 =	sor.u32 s4, s25;
	[tilespmem:s3+$0x200] =	vst v19  }
0x6a: {  	s8 =	simm.s32 $0x40;
	s9 =	sor.u32 s7, s18;
	s13 =	simm.s32 $0x80;
	v16 =	vmul.f32 v16, v7;
	v18 =	vmul.f32 v22, v6;
	v19 =	vld [tilespmem:s26+$0x0];
	[tilespmem:s22+$0x80] =	vst v17  }
0x6b: {  	s15 =	sor.u32 s4, s14;
	s23 =	sand.u32 $0x60, s8;
	s26 =	sand.u32 $0xFFFFFF00, s13;
	v17 =	vld [tilespmem:s9+$0x0]  }
0x6c: {  	s16 =	sor.u32 s1, s25;
	s25 =	sor.u32 $0x10, s23;
	s18 =	sadd.s32 $0x2000, s26;
	v16 =	vadd.f32 v18, v16;
	v18 =	vld [tilespmem:s11+$0x0]  }
0x6d: {  	v22 =	vld [tilespmem:s15+$0x0];
	v20 =	vmul.f32 v20, v11;
	v21 =	vmul.f32 v21, v10;
	s19 =	sor.u32 s25, s18  }
0x6e: {  	v23 =	vld [tilespmem:s19+$0x80]  }
0x6f: {  	[tilespmem:s21+$0x200] =	vst v16;
	v20 =	vadd.f32 v21, v20;
	v21 =	vld [tilespmem:s19+$0x0]  }
0x70: {  	s14 =	sor.u32 s1, s14;
	s24 =	sadd.s32 $0x5000, s0;
	v16 =	vld [tilespmem:s16+$0x0]  }
0x71: {  	s8 =	sadd.s32 $0x5080, s0;
	s13 =	sor.u32 s17, s24;
	v25 =	vld [tilespmem:s14+$0x0];
	[tilespmem:s10+$0x100] =	vst v20;
	v17 =	vmul.f32 v17, v11;
	v18 =	vmul.f32 v18, v10  }
0x72: {  	s15 =	sor.u32 s17, s8;
	v20 =	vld [tilespmem:s13+$0x0]  }
0x73: {  	s9 =	sor.u32 s23, s18;
	v19 =	vmul.f32 v19, v5;
	v22 =	vmul.f32 v22, v4;
	v24 =	vld [tilespmem:s15+$0x0];
	v17 =	vadd.f32 v18, v17  }
0x74: {  	v18 =	vld [tilespmem:s9+$0x0]  }
0x75: {  	s12 =	sor.u32 s7, s24;
	s18 =	simm.s32 $0x200;
	v19 =	vadd.f32 v22, v19;
	v22 =	vmul.f32 v23, v13;
	v21 =	vmul.f32 v21, v12;
	[tilespmem:s22+$0x100] =	vst v17;
	v17 =	vld [tilespmem:s9+$0x80]  }
0x76: {  	s19 =	sor.u32 s7, s8;
	s16 =	sadd.s32 $0x8000, s5;
	s14 =	sand.u32 $0x3FFFFC00, s18;
	v23 =	vld [tilespmem:s12+$0x0]  }
0x77: {  	s11 =	sadd.s32 $0x8080, s5;
	s24 =	sor.u32 s4, s16;
	s14 =	sadd.s32 $0x12000, s14;
	[tilespmem:s3+$0x280] =	vst v19;
	v16 =	vmul.f32 v16, v5;
	v25 =	vmul.f32 v25, v4;
	v19 =	vadd.f32 v22, v21;
	v22 =	vld [tilespmem:s19+$0x0]  }
0x78: {  	s8 =	sor.u32 s4, s11;
	v20 =	vmul.f32 v20, v8;
	v21 =	vmul.f32 v24, v9;
	v24 =	vld [tilespmem:s24+$0x0];
	s12 =	sadd.s32 $0x3000, s26;
	s24 =	sor.u32 s25, s14  }
0x79: {  	v26 =	vld [tilespmem:s8+$0x0];
	s9 =	sadd.s32 $0x3080, s26;
	v16 =	vadd.f32 v25, v16;
	[tilespmem:s24+$0x0] =	vst v19;
	s13 =	sor.u32 s25, s12  }
0x7a: {  	s15 =	sor.u32 s25, s9;
	v19 =	vadd.f32 v21, v20;
	v20 =	vld [tilespmem:s13+$0x0]  }
0x7b: {  	s16 =	sor.u32 s1, s16;
	s19 =	sadd.s32 $0x6000, s0;
	v18 =	vmul.f32 v18, v12;
	v21 =	vld [tilespmem:s15+$0x0];
	[tilespmem:s21+$0x280] =	vst v16;
	v17 =	vmul.f32 v17, v13  }
0x7c: {  	s8 =	sadd.s32 $0x6080, s0;
	s28 =	sor.u32 s17, s19;
	v16 =	vld [tilespmem:s16+$0x0];
	[tilespmem:s10+$0x180] =	vst v19  }
0x7d: {  	s29 =	sor.u32 s17, s8;
	v19 =	vmul.f32 v23, v8;
	v23 =	vld [tilespmem:s28+$0x0];
	v17 =	vadd.f32 v17, v18;
	v18 =	vmul.f32 v22, v9  }
0x7e: {  	s11 =	sor.u32 s1, s11;
	s28 =	sor.u32 s23, s14;
	v22 =	vld [tilespmem:s29+$0x0]  }
0x7f: {  	s12 =	sor.u32 s23, s12;
	v25 =	vmul.f32 v26, v3;
	v26 =	vld [tilespmem:s11+$0x0];
	v24 =	vmul.f32 v24, v2;
	[tilespmem:s28+$0x0] =	vst v17;
	v17 =	vadd.f32 v18, v19  }
0x80: {  	s9 =	sor.u32 s23, s9;
	v19 =	vld [tilespmem:s12+$0x0]  }
0x81: {  	s13 =	sor.u32 s7, s19;
	v20 =	vmul.f32 v20, v14;
	v21 =	vmul.f32 v21, v15;
	v18 =	vadd.f32 v25, v24;
	v24 =	vld [tilespmem:s9+$0x0];
	[tilespmem:s22+$0x180] =	vst v17  }
0x82: {  	s19 =	sadd.s32 $0x9000, s5;
	s14 =	sor.u32 s7, s8;
	v25 =	vld [tilespmem:s13+$0x0]  }
0x83: {  	s18 =	sadd.s32 $0x9080, s5;
	s15 =	sor.u32 s4, s19;
	v20 =	vadd.f32 v21, v20;
	[tilespmem:s3+$0x300] =	vst v18;
	v23 =	vmul.f32 v23, v7;
	v21 =	vld [tilespmem:s14+$0x0];
	v22 =	vmul.f32 v22, v6  }
0x84: {  	s5 =	sadd.s32 $0x4000, s26;
	s4 =	sor.u32 s4, s18;
	v17 =	vld [tilespmem:s15+$0x0]  }
0x85: {  	s16 =	sor.u32 s25, s5;
	s12 =	sadd.s32 $0x7000, s0;
	v18 =	vld [tilespmem:s4+$0x0];
	s4 =	sadd.s32 $0x4080, s26;
	[tilespmem:s24+$0x80] =	vst v20;
	v20 =	vadd.f32 v22, v23  }
0x86: {  	s9 =	sadd.s32 $0x7080, s0;
	s13 =	sor.u32 s17, s12;
	s8 =	sor.u32 s25, s4;
	v23 =	vld [tilespmem:s16+$0x0];
	v19 =	vmul.f32 v19, v14;
	v22 =	vmul.f32 v24, v15  }
0x87: {  	s16 =	sor.u32 s23, s4;
	s4 =	simm.s32 $0x60;
	v24 =	vld [tilespmem:s8+$0x0];
	s8 =	simm.s32 $0xC0;
	[tilespmem:s10+$0x200] =	vst v20  }
0x88: {  	s15 =	sor.u32 s17, s9;
	s29 =	sand.u32 $0x60, s4;
	s30 =	sand.u32 $0xFFFFFF00, s8;
	v19 =	vadd.f32 v22, v19;
	v22 =	vld [tilespmem:s13+$0x0]  }
0x89: {  	s31 =	sor.u32 $0x10, s29;
	v20 =	vmul.f32 v25, v7;
	v21 =	vmul.f32 v21, v6;
	v25 =	vld [tilespmem:s15+$0x0];
	s11 =	sadd.s32 $0x2000, s30  }
0x8a: {  	s14 =	sor.u32 s31, s11  }
0x8b: {  	s5 =	sor.u32 s23, s5;
	[tilespmem:s28+$0x80] =	vst v19;
	v19 =	vadd.f32 v21, v20;
	v27 =	vld [tilespmem:s14+$0x0]  }
0x8c: {  	v23 =	vmul.f32 v23, v11;
	v20 =	vld [tilespmem:s5+$0x0];
	v24 =	vmul.f32 v24, v10  }
0x8d: {  	s13 =	sor.u32 s7, s12;
	v21 =	vld [tilespmem:s16+$0x0];
	[tilespmem:s22+$0x200] =	vst v19  }
0x8e: {  	s9 =	sor.u32 s7, s9;
	v19 =	vld [tilespmem:s13+$0x0];
	v23 =	vadd.f32 v24, v23;
	v22 =	vmul.f32 v22, v5;
	v25 =	vmul.f32 v25, v4  }
0x8f: {  	v24 =	vld [tilespmem:s9+$0x0];
	s9 =	sadd.s32 $0x5000, s26  }
0x90: {  	v28 =	vld [tilespmem:s14+$0x80];
	s5 =	sadd.s32 $0x5080, s26;
	s15 =	sor.u32 s25, s9;
	[tilespmem:s24+$0x100] =	vst v23;
	v22 =	vadd.f32 v25, v22  }
0x91: {  	s14 =	sadd.s32 $0x8000, s0;
	s16 =	sor.u32 s25, s5;
	v23 =	vld [tilespmem:s15+$0x0]  }
0x92: {  	s12 =	sadd.s32 $0x8080, s0;
	s8 =	sor.u32 s17, s14;
	v20 =	vmul.f32 v20, v11;
	v21 =	vmul.f32 v21, v10;
	v25 =	vld [tilespmem:s16+$0x0];
	[tilespmem:s10+$0x280] =	vst v22  }
0x93: {  	s13 =	sor.u32 s17, s12;
	v22 =	vld [tilespmem:s8+$0x0]  }
0x94: {  	s11 =	sor.u32 s29, s11;
	v19 =	vmul.f32 v19, v5;
	v20 =	vadd.f32 v21, v20;
	v21 =	vmul.f32 v24, v4;
	v24 =	vld [tilespmem:s13+$0x0]  }
0x95: {  	v29 =	vld [tilespmem:s11+$0x0];
	v27 =	vmul.f32 v27, v12;
	v28 =	vmul.f32 v28, v13;
	s15 =	simm.s32 $0x300  }
0x96: {  	s9 =	sor.u32 s23, s9;
	s16 =	sand.u32 $0x3FFFFC00, s15;
	[tilespmem:s28+$0x100] =	vst v20;
	v19 =	vadd.f32 v21, v19;
	v20 =	vld [tilespmem:s11+$0x80]  }
0x97: {  	s8 =	sor.u32 s23, s5;
	s11 =	sadd.s32 $0x12000, s16;
	v21 =	vadd.f32 v28, v27;
	v27 =	vld [tilespmem:s9+$0x0];
	v23 =	vmul.f32 v23, v8;
	v25 =	vmul.f32 v25, v9  }
0x98: {  	s13 =	sor.u32 s7, s14;
	s14 =	sadd.s32 $0x3000, s30;
	s5 =	sor.u32 s31, s11;
	[tilespmem:s22+$0x280] =	vst v19;
	v19 =	vld [tilespmem:s8+$0x0]  }
0x99: {  	s16 =	sadd.s32 $0x3080, s30;
	[tilespmem:s5+$0x0] =	vst v21;
	s8 =	sor.u32 s31, s14;
	v21 =	vadd.f32 v25, v23;
	v23 =	vld [tilespmem:s13+$0x0];
	v22 =	vmul.f32 v22, v2;
	v24 =	vmul.f32 v24, v3  }
0x9a: {  	s15 =	sor.u32 s31, s16;
	s9 =	sadd.s32 $0x6000, s26;
	v25 =	vld [tilespmem:s8+$0x0]  }
0x9b: {  	v61 =	vmul.f32 v29, v12;
	v62 =	vld [tilespmem:s15+$0x0];
	s8 =	sadd.s32 $0x6080, s26;
	s13 =	sor.u32 s25, s9;
	v20 =	vmul.f32 v20, v13;
	[tilespmem:s24+$0x180] =	vst v21;
	v21 =	vadd.f32 v24, v22  }
0x9c: {  	s15 =	sadd.s32 $0x9000, s0;
	v22 =	vld [tilespmem:s13+$0x0];
	s13 =	sor.u32 s25, s8  }
0x9d: {  	v27 =	vmul.f32 v27, v8;
	v24 =	vld [tilespmem:s13+$0x0];
	v20 =	vadd.f32 v20, v61;
	v19 =	vmul.f32 v19, v9;
	s13 =	sadd.s32 $0x9080, s0;
	[tilespmem:s10+$0x300] =	vst v21;
	s0 =	sor.u32 s17, s15  }
0x9e: {  	s11 =	sor.u32 s29, s11;
	v21 =	vld [tilespmem:s0+$0x0];
	s17 =	sor.u32 s17, s13  }
0x9f: {  	s14 =	sor.u32 s29, s14;
	v63 =	vld [tilespmem:s17+$0x0];
	[tilespmem:s11+$0x0] =	vst v20;
	v19 =	vadd.f32 v19, v27  }
0xa0: {  	v16 =	vmul.f32 v16, v2;
	v26 =	vmul.f32 v26, v3;
	s17 =	sor.u32 s29, s16;
	v20 =	vld [tilespmem:s14+$0x0]  }
0xa1: {  	s9 =	sor.u32 s23, s9;
	v25 =	vmul.f32 v25, v14;
	v29 =	vmul.f32 v62, v15;
	v27 =	vld [tilespmem:s17+$0x0];
	[tilespmem:s28+$0x180] =	vst v19  }
0xa2: {  	v16 =	vadd.f32 v26, v16;
	v17 =	vmul.f32 v17, v0;
	v18 =	vmul.f32 v18, v1;
	s14 =	sor.u32 s23, s8;
	v30 =	vld [tilespmem:s9+$0x0]  }
0xa3: {  	s0 =	sshll.u32 s20, $0x1;
	s16 =	sor.u32 s7, s12;
	s8 =	sor.u32 s1, s19;
	v19 =	vadd.f32 v29, v25;
	v22 =	vmul.f32 v22, v7;
	v25 =	vld [tilespmem:s14+$0x0];
	v24 =	vmul.f32 v24, v6  }
0xa4: {  	[tilespmem:s21+$0x300] =	vst v16;
	v26 =	vadd.f32 v18, v17;
	s1 =	sor.u32 s1, s18;
	s17 =	sor.u32 s7, s15;
	s18 =	sadd.s32 $0x4000, s30;
	v18 =	vld [tilespmem:s16+$0x0];
	v16 =	vmul.f32 v21, v0;
	v21 =	vmul.f32 v63, v1  }
0xa5: {  	s7 =	sor.u32 s7, s13;
	s19 =	sadd.s32 $0x4080, s30;
	v17 =	vld [tilespmem:s8+$0x0];
	s14 =	sor.u32 s31, s18;
	[tilespmem:s5+$0x80] =	vst v19;
	v19 =	vadd.f32 v24, v22  }
0xa6: {  	[tilespmem:s3+$0x380] =	vst v26;
	s16 =	sadd.s32 $0x7000, s26;
	s12 =	sor.u32 s29, s18;
	s15 =	sor.u32 s31, s19;
	v22 =	vld [tilespmem:s14+$0x0];
	v24 =	vmul.f32 v20, v14;
	v26 =	vmul.f32 v27, v15;
	v27 =	vadd.f32 v21, v16  }
0xa7: {  	s9 =	sor.u32 s29, s19;
	s18 =	sadd.s32 $0x7080, s26;
	s19 =	sor.u32 s25, s16;
	v16 =	vmul.f32 v23, v2;
	v23 =	vld [tilespmem:s15+$0x0];
	[tilespmem:s24+$0x200] =	vst v19  }
0xa8: {  	s14 =	sor.u32 s23, s16;
	s16 =	sor.u32 s23, s18;
	v19 =	vld [tilespmem:s19+$0x0];
	v20 =	vmul.f32 v30, v7;
	v24 =	vadd.f32 v26, v24;
	v21 =	vmul.f32 v25, v6;
	[tilespmem:s10+$0x380] =	vst v27;
	s10 =	sor.u32 s25, s18  }
.LBB2_3:
0xa9: {  	s4 =	sadd.s32 $0x20, s4;
	v25 =	vld [tilespmem:s10+$0x0];
	v18 =	vmul.f32 v18, v3;
	s3 =	smov.u32 s5;
	s10 =	smov.u32 s17  }
0xaa: {  	s5 =	sshll.u32 s4, $0x3;
	p1 =	slt.u32 s4, $0x7E0;
	[tilespmem:s11+$0x80] =	vst v24;
	v20 =	vadd.f32 v21, v20;
	v21 =	vld [tilespmem:s1+$0x0];
	v17 =	vmul.f32 v17, v0;
	s1 =	smov.u32 s7  }
0xab: {  	s7 =	sshra.s32 s5, $0x2;
	v24 =	vld [tilespmem:s12+$0x0];
	v16 =	vadd.f32 v18, v16  }
0xac: {  	s19 =	sand.u32 $0x60, s4;
	v22 =	vmul.f32 v22, v11;
	s18 =	sand.u32 $0xFFFFFF00, s7;
	v18 =	vld [tilespmem:s9+$0x0];
	v23 =	vmul.f32 v23, v10;
	[tilespmem:s28+$0x200] =	vst v20  }
0xad: {  	s12 =	sor.u32 $0x10, s19;
	s7 =	sadd.s32 $0x2000, s18;
	v20 =	vld [tilespmem:s14+$0x0];
	[tilespmem:s22+$0x300] =	vst v16  }
0xae: {  	v19 =	vmul.f32 v19, v5;
	s8 =	sor.u32 s19, s7;
	s7 =	sor.u32 s12, s7;
	v16 =	vadd.f32 v23, v22;
	v22 =	vld [tilespmem:s16+$0x0];
	v23 =	vmul.f32 v25, v4  }
0xaf: {  	s9 =	sadd.s32 $0x5000, s30;
	v25 =	vld [tilespmem:s7+$0x0];
	v21 =	vmul.f32 v21, v1  }
0xb0: {  	s13 =	sadd.s32 $0x5080, s30;
	v26 =	vld [tilespmem:s7+$0x80];
	v24 =	vmul.f32 v24, v11;
	s7 =	sor.u32 s29, s9;
	[tilespmem:s3+$0x100] =	vst v16;
	s9 =	sor.u32 s31, s9;
	v16 =	vadd.f32 v23, v19  }
0xb1: {  	s15 =	sor.u32 s29, s13;
	v18 =	vmul.f32 v18, v10;
	v19 =	vld [tilespmem:s9+$0x0];
	s9 =	sor.u32 s31, s13;
	s13 =	sadd.s32 $0x8000, s26;
	v17 =	vadd.f32 v21, v17  }
0xb2: {  	s16 =	sadd.s32 $0x8080, s26;
	v21 =	vld [tilespmem:s9+$0x0];
	v20 =	vmul.f32 v20, v5;
	s9 =	sor.u32 s23, s13;
	[tilespmem:s24+$0x280] =	vst v16;
	s13 =	sor.u32 s25, s13  }
0xb3: {  	s14 =	sor.u32 s23, s16;
	v16 =	vadd.f32 v18, v24;
	v18 =	vmul.f32 v22, v4;
	v22 =	vld [tilespmem:s13+$0x0];
	s13 =	sor.u32 s25, s16;
	[tilespmem:s21+$0x380] =	vst v17;
	s21 =	smov.u32 s22  }
0xb4: {  	s22 =	smov.u32 s28;
	s28 =	smov.u32 s11;
	v17 =	vld [tilespmem:s13+$0x0]  }
0xb5: {  	v24 =	vmul.f32 v25, v12;
	v23 =	vld [tilespmem:s8+$0x0];
	v25 =	vmul.f32 v26, v13;
	[tilespmem:s28+$0x100] =	vst v16;
	v16 =	vadd.f32 v18, v20  }
0xb6: {  	s5 =	sand.u32 $0x3FFFFC00, s5;
	v18 =	vld [tilespmem:s8+$0x80]  }
0xb7: {  	s5 =	sadd.s32 $0x12000, s5;
	v19 =	vmul.f32 v19, v8;
	v20 =	vadd.f32 v25, v24;
	v24 =	vld [tilespmem:s7+$0x0];
	v21 =	vmul.f32 v21, v9;
	[tilespmem:s22+$0x280] =	vst v16  }
0xb8: {  	s11 =	sor.u32 s19, s5;
	s5 =	sor.u32 s12, s5;
	s7 =	sadd.s32 $0x3000, s18;
	v16 =	vld [tilespmem:s15+$0x0]  }
0xb9: {  	s13 =	sadd.s32 $0x3080, s18;
	s8 =	sor.u32 s19, s7;
	s7 =	sor.u32 s12, s7;
	[tilespmem:s5+$0x0] =	vst v20;
	v19 =	vadd.f32 v21, v19;
	v20 =	vld [tilespmem:s9+$0x0];
	v21 =	vmul.f32 v22, v2;
	v17 =	vmul.f32 v17, v3  }
0xba: {  	s9 =	sor.u32 s19, s13;
	v22 =	vmul.f32 v23, v12;
	v23 =	vld [tilespmem:s7+$0x0];
	s7 =	sor.u32 s12, s13;
	s13 =	sadd.s32 $0x6000, s30  }
0xbb: {  	v18 =	vmul.f32 v18, v13;
	v25 =	vld [tilespmem:s7+$0x0];
	s15 =	sor.u32 s29, s13;
	s7 =	sadd.s32 $0x6080, s30;
	[tilespmem:s3+$0x180] =	vst v19;
	s13 =	sor.u32 s31, s13;
	v17 =	vadd.f32 v17, v21  }
0xbc: {  	v19 =	vmul.f32 v24, v8;
	s16 =	sor.u32 s29, s7;
	v21 =	vld [tilespmem:s13+$0x0];
	s7 =	sor.u32 s31, s7;
	s13 =	sadd.s32 $0x9000, s26  }
0xbd: {  	s26 =	sadd.s32 $0x9080, s26;
	v18 =	vadd.f32 v18, v22;
	v22 =	vmul.f32 v16, v9;
	v24 =	vld [tilespmem:s7+$0x0];
	s17 =	sor.u32 s23, s13;
	[tilespmem:s24+$0x300] =	vst v17;
	s13 =	sor.u32 s25, s13  }
0xbe: {  	s7 =	sor.u32 s23, s26;
	s23 =	smov.u32 s29;
	v16 =	vmul.f32 v20, v2;
	v17 =	vld [tilespmem:s13+$0x0];
	s13 =	sor.u32 s25, s26  }
0xbf: {  	s29 =	smov.u32 s19;
	s26 =	smov.u32 s30;
	s30 =	smov.u32 s18;
	[tilespmem:s11+$0x0] =	vst v18;
	v18 =	vadd.f32 v22, v19;
	v19 =	vld [tilespmem:s13+$0x0]  }
0xc0: {  	s25 =	smov.u32 s31;
	s31 =	smov.u32 s12;
	v20 =	vld [tilespmem:s8+$0x0]  }
0xc1: {  	v23 =	vmul.f32 v23, v14;
	v25 =	vmul.f32 v25, v15;
	v22 =	vld [tilespmem:s9+$0x0];
	[tilespmem:s28+$0x180] =	vst v18  }
0xc2: {  	v26 =	vld [tilespmem:s15+$0x0]  }
0xc3: {  	v21 =	vmul.f32 v21, v7;
	v23 =	vadd.f32 v25, v23;
	v24 =	vmul.f32 v24, v6;
	v25 =	vld [tilespmem:s16+$0x0]  }
.Ltmp2:
0xc4: {  	s8 =	sadd.s32 $0x4000, s30;
	v27 =	vmul.f32 v17, v0;
	v18 =	vld [tilespmem:s14+$0x0];
	v19 =	vmul.f32 v19, v1;
	(pc) =	sbr.rel @p1 .LBB2_3-.Ltmp2, $4  }
0xc5: {  	s13 =	sadd.s32 $0x4080, s30;
	s12 =	sor.u32 s29, s8;
	s8 =	sor.u32 s31, s8;
	v21 =	vadd.f32 v24, v21;
	v28 =	vmul.f32 v20, v14;
	[tilespmem:s5+$0x80] =	vst v23;
	v17 =	vld [tilespmem:s10+$0x0]  }
0xc6: {  	s9 =	sor.u32 s29, s13;
	s10 =	sadd.s32 $0x7000, s26;
	v24 =	vmul.f32 v22, v15;
	v22 =	vld [tilespmem:s8+$0x0];
	s8 =	sor.u32 s31, s13;
	v27 =	vadd.f32 v19, v27  }
0xc7: {  	s14 =	sor.u32 s23, s10;
	s10 =	sor.u32 s25, s10;
	v23 =	vld [tilespmem:s8+$0x0];
	v20 =	vmul.f32 v26, v7;
	s8 =	sadd.s32 $0x7080, s26;
	[tilespmem:s3+$0x200] =	vst v21  }
0xc8: {  	v24 =	vadd.f32 v24, v28;
	v21 =	vmul.f32 v25, v6;
	s16 =	sor.u32 s23, s8;
	v19 =	vld [tilespmem:s10+$0x0];
	s10 =	sor.u32 s25, s8;
	[tilespmem:s24+$0x380] =	vst v27;
	s24 =	smov.u32 s3  }
0xc9: {  	_ = 	snop  }
0xca: {  	[tilespmem:s11+$0x80] =	vst v24  }
0xcb: {  	v12 =	vld [tilespmem:s12+$0x0]  }
0xcc: {  	v13 =	vld [tilespmem:s9+$0x0]  }
0xcd: {  	v14 =	vmul.f32 v22, v11;
	v15 =	vmul.f32 v23, v10;
	_ =	sdelay $0x1  }
0xce: {  	v14 =	vadd.f32 v15, v14  }
0xcf: {  	s3 =	sadd.s32 $0x5000, s30  }
0xd0: {  	s4 =	sadd.s32 $0x5080, s30;
	s8 =	sor.u32 s31, s3;
	v11 =	vmul.f32 v12, v11;
	[tilespmem:s5+$0x100] =	vst v14;
	v10 =	vmul.f32 v13, v10  }
0xd1: {  	s15 =	sor.u32 s31, s4;
	v12 =	vld [tilespmem:s8+$0x0]  }
0xd2: {  	v13 =	vld [tilespmem:s15+$0x0];
	v10 =	vadd.f32 v10, v11;
	_ =	sdelay $0x1  }
0xd3: {  	s3 =	sor.u32 s29, s3;
	[tilespmem:s11+$0x100] =	vst v10  }
0xd4: {  	s4 =	sor.u32 s29, s4;
	v10 =	vld [tilespmem:s3+$0x0]  }
0xd5: {  	v11 =	vld [tilespmem:s4+$0x0]  }
0xd6: {  	v12 =	vmul.f32 v12, v8;
	v13 =	vmul.f32 v13, v9;
	_ =	sdelay $0x1  }
0xd7: {  	v12 =	vadd.f32 v13, v12  }
0xd8: {  	s18 =	sadd.s32 $0x6000, s30  }
0xd9: {  	s19 =	sadd.s32 $0x6080, s30;
	s9 =	sor.u32 s31, s18;
	[tilespmem:s5+$0x180] =	vst v12;
	v8 =	vmul.f32 v10, v8;
	v9 =	vmul.f32 v11, v9  }
0xda: {  	s12 =	sor.u32 s31, s19;
	v10 =	vld [tilespmem:s9+$0x0]  }
0xdb: {  	v11 =	vld [tilespmem:s12+$0x0];
	v8 =	vadd.f32 v9, v8;
	_ =	sdelay $0x1  }
0xdc: {  	s3 =	sor.u32 s29, s18;
	[tilespmem:s11+$0x180] =	vst v8  }
0xdd: {  	s4 =	sor.u32 s29, s19;
	v8 =	vld [tilespmem:s3+$0x0]  }
0xde: {  	v9 =	vld [tilespmem:s4+$0x0]  }
0xdf: {  	v10 =	vmul.f32 v10, v7;
	v11 =	vmul.f32 v11, v6;
	_ =	sdelay $0x1  }
0xe0: {  	v12 =	vld [tilespmem:s10+$0x0];
	v10 =	vadd.f32 v11, v10  }
0xe1: {  	s13 =	sadd.s32 $0x7000, s30  }
0xe2: {  	s15 =	sadd.s32 $0x7080, s30;
	s18 =	sor.u32 s31, s13;
	v11 =	vadd.f32 v21, v20;
	v7 =	vmul.f32 v8, v7;
	[tilespmem:s5+$0x200] =	vst v10;
	v6 =	vmul.f32 v9, v6  }
0xe3: {  	s19 =	sor.u32 s31, s15;
	v8 =	vld [tilespmem:s18+$0x0]  }
0xe4: {  	[tilespmem:s28+$0x200] =	vst v11;
	v9 =	vld [tilespmem:s19+$0x0];
	v6 =	vadd.f32 v6, v7  }
0xe5: {  	v10 =	vmul.f32 v19, v5;
	v11 =	vmul.f32 v12, v4;
	v12 =	vld [tilespmem:s16+$0x0]  }
0xe6: {  	s3 =	sor.u32 s29, s13;
	v7 =	vld [tilespmem:s14+$0x0];
	[tilespmem:s11+$0x200] =	vst v6  }
0xe7: {  	s4 =	sor.u32 s29, s15;
	v6 =	vadd.f32 v11, v10;
	v10 =	vld [tilespmem:s3+$0x0]  }
0xe8: {  	s9 =	sadd.s32 $0x8000, s26;
	v11 =	vld [tilespmem:s4+$0x0]  }
0xe9: {  	s13 =	sadd.s32 $0x8080, s26;
	s14 =	sor.u32 s25, s9;
	[tilespmem:s24+$0x280] =	vst v6;
	v6 =	vmul.f32 v8, v5;
	v8 =	vmul.f32 v9, v4  }
0xea: {  	s15 =	sor.u32 s25, s13;
	v9 =	vld [tilespmem:s14+$0x0]  }
0xeb: {  	v12 =	vmul.f32 v12, v4;
	v7 =	vmul.f32 v7, v5;
	v13 =	vld [tilespmem:s15+$0x0];
	v6 =	vadd.f32 v8, v6  }
0xec: {  	s16 =	sadd.s32 $0x8000, s30  }
0xed: {  	s18 =	sadd.s32 $0x8080, s30;
	s19 =	sor.u32 s31, s16;
	v7 =	vadd.f32 v12, v7;
	v5 =	vmul.f32 v10, v5;
	[tilespmem:s5+$0x280] =	vst v6;
	v4 =	vmul.f32 v11, v4  }
0xee: {  	s12 =	sor.u32 s31, s18;
	v6 =	vld [tilespmem:s19+$0x0]  }
0xef: {  	s3 =	sor.u32 s23, s9;
	[tilespmem:s28+$0x280] =	vst v7;
	v7 =	vld [tilespmem:s12+$0x0];
	v4 =	vadd.f32 v4, v5  }
0xf0: {  	s4 =	sor.u32 s23, s13;
	v5 =	vld [tilespmem:s3+$0x0];
	v8 =	vmul.f32 v9, v2;
	v9 =	vmul.f32 v13, v3  }
0xf1: {  	s13 =	sor.u32 s29, s16;
	v10 =	vld [tilespmem:s4+$0x0];
	[tilespmem:s11+$0x280] =	vst v4  }
0xf2: {  	s14 =	sor.u32 s29, s18;
	v4 =	vmul.f32 v18, v3;
	v8 =	vadd.f32 v9, v8;
	v9 =	vld [tilespmem:s13+$0x0]  }
0xf3: {  	s15 =	sadd.s32 $0x9000, s26;
	v11 =	vld [tilespmem:s14+$0x0]  }
0xf4: {  	s16 =	sadd.s32 $0x9080, s26;
	s18 =	sor.u32 s25, s15;
	v12 =	vld [tilespmem:s1+$0x0];
	v4 =	vadd.f32 v4, v16;
	[tilespmem:s24+$0x300] =	vst v8;
	v6 =	vmul.f32 v6, v2;
	v7 =	vmul.f32 v7, v3  }
0xf5: {  	s19 =	sor.u32 s25, s16;
	v8 =	vld [tilespmem:s18+$0x0]  }
0xf6: {  	v10 =	vmul.f32 v10, v3;
	[tilespmem:s22+$0x300] =	vst v4;
	v4 =	vmul.f32 v5, v2;
	v5 =	vld [tilespmem:s19+$0x0];
	v6 =	vadd.f32 v7, v6  }
0xf7: {  	s25 =	sadd.s32 $0x9000, s30;
	v7 =	vld [tilespmem:s17+$0x0]  }
0xf8: {  	s26 =	sadd.s32 $0x9080, s30;
	s9 =	sor.u32 s31, s25;
	v13 =	vld [tilespmem:s7+$0x0];
	v4 =	vadd.f32 v10, v4;
	[tilespmem:s5+$0x300] =	vst v6;
	v2 =	vmul.f32 v9, v2;
	v3 =	vmul.f32 v11, v3  }
0xf9: {  	s10 =	sor.u32 s31, s26;
	v6 =	vld [tilespmem:s9+$0x0]  }
0xfa: {  	s3 =	sor.u32 s23, s15;
	[tilespmem:s28+$0x300] =	vst v4;
	v4 =	vld [tilespmem:s10+$0x0];
	v2 =	vadd.f32 v3, v2  }
0xfb: {  	s1 =	sor.u32 s23, s16;
	v3 =	vld [tilespmem:s3+$0x0]  }
0xfc: {  	s12 =	sor.u32 s29, s25;
	v9 =	vld [tilespmem:s1+$0x0];
	[tilespmem:s11+$0x300] =	vst v2  }
0xfd: {  	s13 =	sor.u32 s29, s26;
	v2 =	vld [tilespmem:s12+$0x0]  }
0xfe: {  	v10 =	vmul.f32 v17, v0;
	v11 =	vmul.f32 v12, v1;
	v12 =	vld [tilespmem:s13+$0x0]  }
0xff: {  	v8 =	vmul.f32 v8, v0;
	v5 =	vmul.f32 v5, v1  }
0x100: {  	v10 =	vadd.f32 v11, v10;
	v7 =	vmul.f32 v7, v0;
	v11 =	vmul.f32 v13, v1  }
0x101: {  	v5 =	vadd.f32 v5, v8;
	v6 =	vmul.f32 v6, v0;
	v4 =	vmul.f32 v4, v1  }
0x102: {  	[tilespmem:s21+$0x380] =	vst v10;
	v7 =	vadd.f32 v11, v7;
	v3 =	vmul.f32 v3, v0;
	v8 =	vmul.f32 v9, v1  }
0x103: {  	[tilespmem:s24+$0x380] =	vst v5;
	v4 =	vadd.f32 v4, v6;
	v0 =	vmul.f32 v2, v0;
	v1 =	vmul.f32 v12, v1  }
0x104: {  	[tilespmem:s22+$0x380] =	vst v7;
	v2 =	vadd.f32 v8, v3  }
0x105: {  	[tilespmem:s5+$0x380] =	vst v4;
	v0 =	vadd.f32 v1, v0  }
0x106: {  	s14 =	sshll.u32 s20, $0xC;
	[tilespmem:s28+$0x380] =	vst v2  }
0x107: {  	p1 =	seq.s32 s20, $0xF;
	s15 =	simm.s32 $0x12000;
	s1 =	sadd.s32 s14, s6;
	[tilespmem:s11+$0x380] =	vst v0  }
0x108: {  	[hbm4b:s1+s2] =	stream.linear.scatter [tilespmem:s15], [sflag:$0x3], $0x4000, $0x38;
	[tilespmem:$0x1A000] =	vst v63  }
0x109: {  	s16 =	simm.s32 $0x2;
	s1 =	sshll.u32 @!p1 s20, $0xD;
	s2 =	rddreg [dreg:$0x8]  }
0x10a: {  	s4 =	simm.s32 @!p1 $0x2000;
	s3 =	simm.s32 @!p1 $0x0;
	s1 =	sadd.s32 @!p1 s2, s1  }
0x10b: {  	[tilespmem:s4], [sflag:$0x1] =	stream.linear.gather @!p1 [hbm4b:s1+s3], $0x8000, $0x38;
	[tilespmem:$0x1A000] =	vst v63  }
0x10c: {  	_ =	swait.ge [sflag:s16], $0x8000  }
0x10d: {  	[sflag:s16] =	ssyncset.done $0x0  }
0x10e: {  	s1 =	simm.s32 @!p0 $0x4;
	[sflag:s16] =	ssyncadd.s32 $0xFFFF8000  }
0x10f: {  	s21 =	sor.u32 $0x1, s0;
	_ =	swait.ge @!p0 [sflag:s1], $0x4000  }
0x110: {  	s0 =	sshll.u32 s21, $0x8;
	[sflag:s1] =	ssyncset.done @!p0 $0x0  }
0x111: {  	s17 =	sand.u32 $0x3FFFFF00, s0;
	[sflag:s1] =	ssyncadd.s32 @!p0 $0xFFFFC000  }
0x112: {  	v12 =	vld [tilespmem:s17+$0x0]  }
0x113: {  	v13 =	vld [tilespmem:s17+$0x10]  }
0x114: {  	v14 =	vld [tilespmem:s17+$0x20]  }
0x115: {  	v15 =	vld [tilespmem:s17+$0x30]  }
0x116: {  	v11 =	vld [tilespmem:s17+$0x40]  }
0x117: {  	s18 =	simm.s32 $0x0;
	s19 =	simm.s32 $0x0;
	v10 =	vld [tilespmem:s17+$0x50]  }
0x118: {  	s4 =	sand.u32 $0xFFFFFF00, s19;
	s1 =	sand.u32 $0x60, s18;
	v8 =	vld [tilespmem:s17+$0x60]  }
0x119: {  	s22 =	sadd.s32 $0xA000, s4;
	v9 =	vld [tilespmem:s17+$0x70];
	s0 =	sor.u32 $0x10, s1  }
0x11a: {  	v7 =	vld [tilespmem:s17+$0x80];
	s23 =	sor.u32 s0, s22  }
0x11b: {  	v0 =	vld [tilespmem:s23+$0x0]  }
0x11c: {  	v1 =	vld [tilespmem:s23+$0x80]  }
0x11d: {  	v6 =	vld [tilespmem:s17+$0x90]  }
0x11e: {  	v5 =	vld [tilespmem:s17+$0xA0]  }
0x11f: {  	v4 =	vld [tilespmem:s17+$0xB0];
	s5 =	sor.u32 s1, s22  }
0x120: {  	v16 =	vld [tilespmem:s5+$0x0]  }
0x121: {  	s24 =	simm.s32 $0x0;
	v18 =	vld [tilespmem:s5+$0x80];
	v17 =	vmul.f32 v0, v12;
	v1 =	vmul.f32 v1, v13  }
0x122: {  	s25 =	sand.u32 $0x3FFFFC00, s24;
	v2 =	vld [tilespmem:s17+$0xC0]  }
0x123: {  	v3 =	vld [tilespmem:s17+$0xD0];
	s5 =	sadd.s32 $0x16000, s25;
	v17 =	vadd.f32 v1, v17  }
0x124: {  	s26 =	sadd.s32 $0xB000, s4;
	s3 =	sor.u32 s0, s5;
	v0 =	vld [tilespmem:s17+$0xE0]  }
0x125: {  	s2 =	sadd.s32 $0xB080, s4;
	s10 =	sor.u32 s0, s26;
	v1 =	vld [tilespmem:s17+$0xF0];
	[tilespmem:s3+$0x0] =	vst v17  }
0x126: {  	s11 =	sor.u32 s0, s2;
	v16 =	vmul.f32 v16, v12;
	v18 =	vmul.f32 v18, v13;
	v17 =	vld [tilespmem:s10+$0x0]  }
0x127: {  	v19 =	vld [tilespmem:s11+$0x0]  }
0x128: {  	v16 =	vadd.f32 v18, v16  }
0x129: {  	s22 =	sor.u32 s1, s5  }
0x12a: {  	s12 =	sor.u32 s1, s26;
	[tilespmem:s22+$0x0] =	vst v16  }
0x12b: {  	s13 =	sor.u32 s1, s2;
	v16 =	vld [tilespmem:s12+$0x0]  }
0x12c: {  	v18 =	vld [tilespmem:s13+$0x0];
	v17 =	vmul.f32 v17, v14;
	v19 =	vmul.f32 v19, v15;
	_ =	sdelay $0x1  }
0x12d: {  	v17 =	vadd.f32 v19, v17  }
0x12e: {  	s14 =	sadd.s32 $0xC000, s4  }
0x12f: {  	s15 =	sadd.s32 $0xC080, s4;
	s16 =	sor.u32 s0, s14;
	[tilespmem:s3+$0x80] =	vst v17  }
0x130: {  	s17 =	sor.u32 s0, s15;
	v16 =	vmul.f32 v16, v14;
	v17 =	vmul.f32 v18, v15;
	v18 =	vld [tilespmem:s16+$0x0]  }
0x131: {  	v19 =	vld [tilespmem:s17+$0x0]  }
0x132: {  	v16 =	vadd.f32 v17, v16;
	_ =	sdelay $0x1  }
0x133: {  	s19 =	simm.s32 $0x40;
	s18 =	simm.s32 $0x20;
	s5 =	sor.u32 s1, s14;
	[tilespmem:s22+$0x80] =	vst v16  }
0x134: {  	s7 =	sand.u32 $0x60, s18;
	s23 =	sor.u32 s1, s15;
	s11 =	sand.u32 $0xFFFFFF00, s19;
	v16 =	vld [tilespmem:s5+$0x0]  }
0x135: {  	s24 =	sadd.s32 $0xA000, s11;
	s17 =	sor.u32 $0x10, s7;
	v17 =	vld [tilespmem:s23+$0x0];
	v18 =	vmul.f32 v18, v11;
	v19 =	vmul.f32 v19, v10  }
0x136: {  	s25 =	sor.u32 s17, s24  }
0x137: {  	v20 =	vld [tilespmem:s25+$0x80];
	v18 =	vadd.f32 v19, v18  }
0x138: {  	s26 =	sadd.s32 $0xD000, s4;
	v19 =	vld [tilespmem:s25+$0x0]  }
0x139: {  	s2 =	sadd.s32 $0xD080, s4;
	s12 =	sor.u32 s0, s26;
	[tilespmem:s3+$0x100] =	vst v18  }
0x13a: {  	s13 =	sor.u32 s0, s2;
	v16 =	vmul.f32 v16, v11;
	v17 =	vmul.f32 v17, v10;
	v18 =	vld [tilespmem:s12+$0x0]  }
0x13b: {  	s5 =	sor.u32 s7, s24;
	v21 =	vld [tilespmem:s13+$0x0]  }
0x13c: {  	v22 =	vld [tilespmem:s5+$0x80];
	v16 =	vadd.f32 v17, v16  }
0x13d: {  	s14 =	simm.s32 $0x100;
	v20 =	vmul.f32 v20, v13;
	v17 =	vld [tilespmem:s5+$0x0];
	v19 =	vmul.f32 v19, v12  }
0x13e: {  	s15 =	sor.u32 s1, s26;
	s16 =	sand.u32 $0x3FFFFC00, s14;
	[tilespmem:s22+$0x100] =	vst v16  }
0x13f: {  	s8 =	sor.u32 s1, s2;
	s9 =	sadd.s32 $0x16000, s16;
	v16 =	vadd.f32 v20, v19;
	v19 =	vld [tilespmem:s15+$0x0]  }
0x140: {  	s18 =	sadd.s32 $0xB000, s11;
	s10 =	sor.u32 s17, s9;
	v18 =	vmul.f32 v18, v8;
	v20 =	vmul.f32 v21, v9;
	v21 =	vld [tilespmem:s8+$0x0]  }
0x141: {  	s19 =	sadd.s32 $0xB080, s11;
	s23 =	sor.u32 s17, s18;
	[tilespmem:s10+$0x0] =	vst v16  }
0x142: {  	s24 =	sor.u32 s17, s19;
	v17 =	vmul.f32 v17, v12;
	v16 =	vadd.f32 v20, v18;
	v18 =	vld [tilespmem:s23+$0x0];
	v20 =	vmul.f32 v22, v13  }
0x143: {  	s13 =	sadd.s32 $0xE000, s4;
	v22 =	vld [tilespmem:s24+$0x0]  }
0x144: {  	s25 =	sadd.s32 $0xE080, s4;
	s26 =	sor.u32 s0, s13;
	[tilespmem:s3+$0x180] =	vst v16;
	v16 =	vadd.f32 v20, v17  }
0x145: {  	s2 =	sor.u32 s0, s25;
	s23 =	sor.u32 s7, s9;
	v17 =	vmul.f32 v19, v8;
	v19 =	vld [tilespmem:s26+$0x0];
	v20 =	vmul.f32 v21, v9  }
0x146: {  	s5 =	sor.u32 s7, s18;
	v21 =	vld [tilespmem:s2+$0x0];
	[tilespmem:s23+$0x0] =	vst v16  }
0x147: {  	s8 =	sor.u32 s7, s19;
	v16 =	vadd.f32 v20, v17;
	v17 =	vld [tilespmem:s5+$0x0]  }
0x148: {  	v20 =	vld [tilespmem:s8+$0x0];
	v18 =	vmul.f32 v18, v14;
	v22 =	vmul.f32 v22, v15;
	_ =	sdelay $0x1  }
0x149: {  	s9 =	sor.u32 s1, s13;
	[tilespmem:s22+$0x180] =	vst v16;
	v18 =	vadd.f32 v22, v18  }
0x14a: {  	s12 =	sor.u32 s1, s25;
	s13 =	sadd.s32 $0xC000, s11;
	v16 =	vld [tilespmem:s9+$0x0]  }
0x14b: {  	s14 =	sadd.s32 $0xC080, s11;
	s15 =	sor.u32 s17, s13;
	v22 =	vld [tilespmem:s12+$0x0];
	v19 =	vmul.f32 v19, v7;
	v21 =	vmul.f32 v21, v6;
	[tilespmem:s10+$0x80] =	vst v18  }
0x14c: {  	s16 =	sor.u32 s17, s14;
	v17 =	vmul.f32 v17, v14;
	v18 =	vmul.f32 v20, v15;
	v20 =	vld [tilespmem:s15+$0x0]  }
0x14d: {  	v19 =	vadd.f32 v21, v19;
	v21 =	vld [tilespmem:s16+$0x0]  }
0x14e: {  	s12 =	sadd.s32 $0xF080, s4;
	v17 =	vadd.f32 v18, v17  }
0x14f: {  	s25 =	simm.s32 $0x80;
	s26 =	sor.u32 s0, s12;
	[tilespmem:s3+$0x200] =	vst v19  }
0x150: {  	s18 =	sadd.s32 $0xF000, s4;
	s24 =	simm.s32 $0x40;
	s5 =	sor.u32 s7, s13;
	v16 =	vmul.f32 v16, v7;
	v18 =	vmul.f32 v22, v6;
	v22 =	vld [tilespmem:s26+$0x0];
	[tilespmem:s23+$0x80] =	vst v17  }
0x151: {  	s28 =	sand.u32 $0xFFFFFF00, s25;
	s24 =	sand.u32 $0x60, s24;
	s8 =	sor.u32 s7, s14;
	v17 =	vld [tilespmem:s5+$0x0]  }
0x152: {  	s19 =	sor.u32 s0, s18;
	s9 =	sadd.s32 $0xA000, s28;
	s26 =	sor.u32 $0x10, s24;
	v16 =	vadd.f32 v18, v16;
	v18 =	vld [tilespmem:s8+$0x0];
	v20 =	vmul.f32 v20, v11;
	v21 =	vmul.f32 v21, v10  }
0x153: {  	v19 =	vld [tilespmem:s19+$0x0];
	s14 =	sor.u32 s26, s9  }
0x154: {  	v23 =	vld [tilespmem:s14+$0x80];
	v20 =	vadd.f32 v21, v20  }
0x155: {  	s2 =	sor.u32 s1, s18;
	s15 =	sadd.s32 $0xD000, s11;
	[tilespmem:s22+$0x200] =	vst v16;
	v21 =	vld [tilespmem:s14+$0x0]  }
0x156: {  	s16 =	sadd.s32 $0xD080, s11;
	s18 =	sor.u32 s17, s15;
	v16 =	vld [tilespmem:s2+$0x0];
	[tilespmem:s10+$0x100] =	vst v20  }
0x157: {  	s19 =	sor.u32 s17, s16;
	v17 =	vmul.f32 v17, v11;
	v18 =	vmul.f32 v18, v10;
	v20 =	vld [tilespmem:s18+$0x0]  }
0x158: {  	s12 =	sor.u32 s1, s12;
	v24 =	vld [tilespmem:s19+$0x0]  }
0x159: {  	s5 =	sor.u32 s24, s9;
	v25 =	vld [tilespmem:s12+$0x0];
	v19 =	vmul.f32 v19, v5;
	v22 =	vmul.f32 v22, v4;
	v17 =	vadd.f32 v18, v17  }
0x15a: {  	v18 =	vld [tilespmem:s5+$0x0]  }
0x15b: {  	s25 =	simm.s32 $0x200;
	s9 =	sor.u32 s7, s15;
	v19 =	vadd.f32 v22, v19;
	v22 =	vmul.f32 v23, v13;
	v21 =	vmul.f32 v21, v12;
	[tilespmem:s23+$0x100] =	vst v17;
	v17 =	vld [tilespmem:s5+$0x80]  }
0x15c: {  	s13 =	sadd.s32 $0x10000, s4;
	s8 =	sor.u32 s7, s16;
	s12 =	sand.u32 $0x3FFFFC00, s25;
	v23 =	vld [tilespmem:s9+$0x0]  }
0x15d: {  	s2 =	sor.u32 s0, s13;
	s12 =	sadd.s32 $0x16000, s12;
	[tilespmem:s3+$0x280] =	vst v19;
	s5 =	sadd.s32 $0x10080, s4;
	v19 =	vadd.f32 v22, v21;
	v20 =	vmul.f32 v20, v8;
	v21 =	vmul.f32 v24, v9;
	v22 =	vld [tilespmem:s8+$0x0]  }
0x15e: {  	s25 =	sor.u32 s26, s12;
	v24 =	vld [tilespmem:s2+$0x0];
	s14 =	sor.u32 s0, s5;
	s9 =	sadd.s32 $0xB000, s28  }
0x15f: {  	v16 =	vmul.f32 v16, v5;
	v25 =	vmul.f32 v25, v4;
	s8 =	sadd.s32 $0xB080, s28;
	v26 =	vld [tilespmem:s14+$0x0];
	[tilespmem:s25+$0x0] =	vst v19;
	s15 =	sor.u32 s26, s9;
	v19 =	vadd.f32 v21, v20  }
0x160: {  	s16 =	sor.u32 s26, s8;
	v18 =	vmul.f32 v18, v12;
	v20 =	vld [tilespmem:s15+$0x0];
	s15 =	sadd.s32 $0xE000, s11;
	v17 =	vmul.f32 v17, v13  }
0x161: {  	s18 =	sadd.s32 $0xE080, s11;
	v16 =	vadd.f32 v25, v16;
	v21 =	vld [tilespmem:s16+$0x0];
	s19 =	sor.u32 s17, s15;
	[tilespmem:s10+$0x180] =	vst v19  }
0x162: {  	s2 =	sor.u32 s17, s18;
	v19 =	vmul.f32 v23, v8;
	v23 =	vld [tilespmem:s19+$0x0];
	v17 =	vadd.f32 v17, v18;
	v18 =	vmul.f32 v22, v9  }
0x163: {  	s13 =	sor.u32 s1, s13;
	s29 =	sor.u32 s24, s12;
	[tilespmem:s22+$0x280] =	vst v16;
	v22 =	vld [tilespmem:s2+$0x0]  }
0x164: {  	s9 =	sor.u32 s24, s9;
	v16 =	vld [tilespmem:s13+$0x0];
	v24 =	vmul.f32 v24, v2;
	v25 =	vmul.f32 v26, v3;
	[tilespmem:s29+$0x0] =	vst v17;
	v17 =	vadd.f32 v18, v19  }
0x165: {  	s8 =	sor.u32 s24, s8;
	v19 =	vld [tilespmem:s9+$0x0]  }
0x166: {  	s15 =	sor.u32 s7, s15;
	v20 =	vmul.f32 v20, v14;
	v21 =	vmul.f32 v21, v15;
	v18 =	vadd.f32 v25, v24;
	v24 =	vld [tilespmem:s8+$0x0];
	[tilespmem:s23+$0x180] =	vst v17  }
0x167: {  	s16 =	sor.u32 s7, s18;
	v25 =	vld [tilespmem:s15+$0x0]  }
0x168: {  	s5 =	sor.u32 s1, s5;
	s19 =	sadd.s32 $0x11000, s4;
	v20 =	vadd.f32 v21, v20;
	v23 =	vmul.f32 v23, v7;
	v21 =	vld [tilespmem:s16+$0x0];
	v22 =	vmul.f32 v22, v6  }
0x169: {  	s18 =	sadd.s32 $0x11080, s4;
	s4 =	sadd.s32 $0xC000, s28;
	s2 =	sor.u32 s0, s19;
	v26 =	vld [tilespmem:s5+$0x0];
	[tilespmem:s3+$0x300] =	vst v18  }
0x16a: {  	s14 =	sor.u32 s26, s4;
	s9 =	sadd.s32 $0xC080, s28;
	v17 =	vld [tilespmem:s2+$0x0];
	[tilespmem:s25+$0x80] =	vst v20;
	v20 =	vadd.f32 v22, v23  }
0x16b: {  	s15 =	sor.u32 s26, s9;
	s16 =	sadd.s32 $0xF000, s11;
	v23 =	vld [tilespmem:s14+$0x0];
	v19 =	vmul.f32 v19, v14;
	v22 =	vmul.f32 v24, v15  }
0x16c: {  	s8 =	sadd.s32 $0xF080, s11;
	s2 =	sor.u32 s17, s16;
	v24 =	vld [tilespmem:s15+$0x0];
	[tilespmem:s10+$0x200] =	vst v20  }
0x16d: {  	s13 =	sor.u32 s17, s8;
	v20 =	vmul.f32 v25, v7;
	v19 =	vadd.f32 v22, v19;
	v21 =	vmul.f32 v21, v6;
	v22 =	vld [tilespmem:s2+$0x0]  }
0x16e: {  	s0 =	sor.u32 s0, s18;
	v25 =	vld [tilespmem:s13+$0x0]  }
0x16f: {  	v18 =	vld [tilespmem:s0+$0x0];
	s14 =	sor.u32 s24, s4;
	[tilespmem:s29+$0x80] =	vst v19;
	v19 =	vadd.f32 v21, v20  }
0x170: {  	s0 =	sor.u32 s24, s9;
	s4 =	simm.s32 $0x60;
	s15 =	simm.s32 $0xC0;
	v20 =	vld [tilespmem:s14+$0x0]  }
0x171: {  	s16 =	sor.u32 s7, s16;
	s30 =	sand.u32 $0x60, s4;
	s31 =	sand.u32 $0xFFFFFF00, s15;
	v23 =	vmul.f32 v23, v11;
	v21 =	vld [tilespmem:s0+$0x0];
	v24 =	vmul.f32 v24, v10;
	[tilespmem:s23+$0x200] =	vst v19  }
0x172: {  	s8 =	sor.u32 s7, s8;
	s2 =	sadd.s32 $0xA000, s31;
	s0 =	sor.u32 $0x10, s30;
	v19 =	vld [tilespmem:s16+$0x0]  }
0x173: {  	s12 =	sor.u32 s0, s2;
	v23 =	vadd.f32 v24, v23;
	v24 =	vld [tilespmem:s8+$0x0];
	v22 =	vmul.f32 v22, v5;
	v25 =	vmul.f32 v25, v4  }
0x174: {  	v27 =	vld [tilespmem:s12+$0x0];
	s8 =	sadd.s32 $0xD000, s28  }
0x175: {  	s5 =	sadd.s32 $0xD080, s28;
	v28 =	vld [tilespmem:s12+$0x80];
	s13 =	sor.u32 s26, s8;
	[tilespmem:s25+$0x100] =	vst v23;
	v22 =	vadd.f32 v25, v22  }
0x176: {  	s14 =	sor.u32 s26, s5;
	v23 =	vld [tilespmem:s13+$0x0];
	s13 =	sadd.s32 $0x10000, s11  }
0x177: {  	s12 =	sadd.s32 $0x10080, s11;
	v20 =	vmul.f32 v20, v11;
	v21 =	vmul.f32 v21, v10;
	v25 =	vld [tilespmem:s14+$0x0];
	[tilespmem:s10+$0x280] =	vst v22;
	s15 =	sor.u32 s17, s13  }
0x178: {  	s16 =	sor.u32 s17, s12;
	v22 =	vld [tilespmem:s15+$0x0]  }
0x179: {  	s9 =	sor.u32 s30, s2;
	v19 =	vmul.f32 v19, v5;
	v20 =	vadd.f32 v21, v20;
	v21 =	vmul.f32 v24, v4;
	v24 =	vld [tilespmem:s16+$0x0]  }
0x17a: {  	v29 =	vld [tilespmem:s9+$0x0];
	s2 =	simm.s32 $0x300;
	v27 =	vmul.f32 v27, v12;
	v28 =	vmul.f32 v28, v13  }
0x17b: {  	s8 =	sor.u32 s24, s8;
	s15 =	sand.u32 $0x3FFFFC00, s2;
	[tilespmem:s29+$0x100] =	vst v20;
	v19 =	vadd.f32 v21, v19;
	v20 =	vld [tilespmem:s9+$0x80]  }
0x17c: {  	s16 =	sor.u32 s24, s5;
	s9 =	sadd.s32 $0x16000, s15;
	v21 =	vadd.f32 v28, v27;
	v27 =	vld [tilespmem:s8+$0x0];
	v23 =	vmul.f32 v23, v8;
	v25 =	vmul.f32 v25, v9  }
0x17d: {  	s2 =	sor.u32 s7, s13;
	s13 =	sadd.s32 $0xB000, s31;
	s5 =	sor.u32 s0, s9;
	[tilespmem:s23+$0x280] =	vst v19;
	v19 =	vld [tilespmem:s16+$0x0]  }
0x17e: {  	s14 =	sadd.s32 $0xB080, s31;
	s15 =	sor.u32 s0, s13;
	[tilespmem:s5+$0x0] =	vst v21;
	v21 =	vld [tilespmem:s2+$0x0];
	v23 =	vadd.f32 v25, v23;
	v22 =	vmul.f32 v22, v2;
	v24 =	vmul.f32 v24, v3  }
0x17f: {  	s16 =	sor.u32 s0, s14;
	v25 =	vld [tilespmem:s15+$0x0];
	s15 =	sadd.s32 $0xE000, s28  }
0x180: {  	v29 =	vmul.f32 v29, v12;
	s8 =	sadd.s32 $0xE080, s28;
	v61 =	vld [tilespmem:s16+$0x0];
	s2 =	sor.u32 s26, s15;
	v20 =	vmul.f32 v20, v13;
	[tilespmem:s25+$0x180] =	vst v23;
	v22 =	vadd.f32 v24, v22  }
0x181: {  	s16 =	sor.u32 s26, s8;
	v23 =	vld [tilespmem:s2+$0x0];
	s2 =	sadd.s32 $0x11000, s11  }
0x182: {  	v24 =	vld [tilespmem:s16+$0x0];
	v27 =	vmul.f32 v27, v8;
	s16 =	sadd.s32 $0x11080, s11;
	v20 =	vadd.f32 v20, v29;
	v19 =	vmul.f32 v19, v9;
	[tilespmem:s10+$0x300] =	vst v22;
	s11 =	sor.u32 s17, s2  }
0x183: {  	s17 =	sor.u32 s17, s16;
	v22 =	vld [tilespmem:s11+$0x0];
	s11 =	sor.u32 s30, s9  }
0x184: {  	s13 =	sor.u32 s30, s13;
	v62 =	vld [tilespmem:s17+$0x0];
	[tilespmem:s11+$0x0] =	vst v20;
	v19 =	vadd.f32 v19, v27  }
0x185: {  	v16 =	vmul.f32 v16, v2;
	v26 =	vmul.f32 v26, v3;
	s14 =	sor.u32 s30, s14;
	v20 =	vld [tilespmem:s13+$0x0]  }
0x186: {  	s17 =	sor.u32 s24, s15;
	v25 =	vmul.f32 v25, v14;
	v28 =	vmul.f32 v61, v15;
	v27 =	vld [tilespmem:s14+$0x0];
	[tilespmem:s29+$0x180] =	vst v19  }
0x187: {  	v16 =	vadd.f32 v26, v16;
	v17 =	vmul.f32 v17, v0;
	v18 =	vmul.f32 v18, v1;
	s8 =	sor.u32 s24, s8;
	v30 =	vld [tilespmem:s17+$0x0]  }
0x188: {  	s15 =	sor.u32 s7, s12;
	s13 =	sor.u32 s1, s19;
	v19 =	vadd.f32 v28, v25;
	v23 =	vmul.f32 v23, v7;
	v24 =	vmul.f32 v24, v6;
	v26 =	vld [tilespmem:s8+$0x0]  }
0x189: {  	[tilespmem:s22+$0x300] =	vst v16;
	s1 =	sor.u32 s1, s18;
	s18 =	sadd.s32 $0xC000, s31;
	s19 =	sadd.s32 $0xC080, s31;
	v25 =	vadd.f32 v18, v17;
	v18 =	vld [tilespmem:s15+$0x0];
	v16 =	vmul.f32 v22, v0;
	v63 =	vmul.f32 v62, v1  }
0x18a: {  	s14 =	sor.u32 s0, s18;
	v17 =	vld [tilespmem:s13+$0x0];
	s12 =	sor.u32 s30, s18;
	s15 =	sor.u32 s0, s19;
	[tilespmem:s5+$0x80] =	vst v19;
	v19 =	vadd.f32 v24, v23  }
0x18b: {  	s17 =	sor.u32 s7, s2;
	s7 =	sor.u32 s7, s16;
	s16 =	sadd.s32 $0xF000, s28;
	[tilespmem:s3+$0x380] =	vst v25;
	v22 =	vld [tilespmem:s14+$0x0];
	v24 =	vmul.f32 v20, v14;
	v25 =	vmul.f32 v27, v15;
	v27 =	vadd.f32 v63, v16  }
0x18c: {  	s9 =	sor.u32 s30, s19;
	s18 =	sadd.s32 $0xF080, s28;
	s19 =	sor.u32 s26, s16;
	v23 =	vld [tilespmem:s15+$0x0];
	v16 =	vmul.f32 v21, v2;
	[tilespmem:s25+$0x200] =	vst v19  }
0x18d: {  	s14 =	sor.u32 s24, s16;
	s16 =	sor.u32 s24, s18;
	v19 =	vld [tilespmem:s19+$0x0];
	v20 =	vmul.f32 v30, v7;
	v24 =	vadd.f32 v25, v24;
	v21 =	vmul.f32 v26, v6;
	[tilespmem:s10+$0x380] =	vst v27;
	s10 =	sor.u32 s26, s18  }
.LBB2_5:
0x18e: {  	s4 =	sadd.s32 $0x20, s4;
	v25 =	vld [tilespmem:s10+$0x0];
	v18 =	vmul.f32 v18, v3;
	s3 =	smov.u32 s5;
	s10 =	smov.u32 s17  }
0x18f: {  	s5 =	sshll.u32 s4, $0x3;
	p0 =	slt.u32 s4, $0x7E0;
	[tilespmem:s11+$0x80] =	vst v24;
	v20 =	vadd.f32 v21, v20;
	v21 =	vld [tilespmem:s1+$0x0];
	v17 =	vmul.f32 v17, v0;
	s1 =	smov.u32 s7  }
0x190: {  	s2 =	sshra.s32 s5, $0x2;
	v24 =	vld [tilespmem:s12+$0x0];
	v16 =	vadd.f32 v18, v16  }
0x191: {  	s19 =	sand.u32 $0x60, s4;
	v22 =	vmul.f32 v22, v11;
	s18 =	sand.u32 $0xFFFFFF00, s2;
	v18 =	vld [tilespmem:s9+$0x0];
	v23 =	vmul.f32 v23, v10;
	[tilespmem:s29+$0x200] =	vst v20  }
0x192: {  	s12 =	sor.u32 $0x10, s19;
	s2 =	sadd.s32 $0xA000, s18;
	v20 =	vld [tilespmem:s14+$0x0];
	[tilespmem:s23+$0x300] =	vst v16  }
0x193: {  	v19 =	vmul.f32 v19, v5;
	s7 =	sor.u32 s19, s2;
	s2 =	sor.u32 s12, s2;
	v16 =	vadd.f32 v23, v22;
	v22 =	vld [tilespmem:s16+$0x0];
	v23 =	vmul.f32 v25, v4  }
0x194: {  	s8 =	sadd.s32 $0xD000, s31;
	v25 =	vld [tilespmem:s2+$0x0];
	v21 =	vmul.f32 v21, v1  }
0x195: {  	s9 =	sadd.s32 $0xD080, s31;
	v26 =	vld [tilespmem:s2+$0x80];
	v24 =	vmul.f32 v24, v11;
	s2 =	sor.u32 s30, s8;
	[tilespmem:s3+$0x100] =	vst v16;
	s8 =	sor.u32 s0, s8;
	v16 =	vadd.f32 v23, v19  }
0x196: {  	s13 =	sor.u32 s30, s9;
	v18 =	vmul.f32 v18, v10;
	v19 =	vld [tilespmem:s8+$0x0];
	s8 =	sor.u32 s0, s9;
	s9 =	sadd.s32 $0x10000, s28;
	v17 =	vadd.f32 v21, v17  }
0x197: {  	s15 =	sadd.s32 $0x10080, s28;
	v21 =	vld [tilespmem:s8+$0x0];
	v20 =	vmul.f32 v20, v5;
	s8 =	sor.u32 s24, s9;
	[tilespmem:s25+$0x280] =	vst v16;
	s9 =	sor.u32 s26, s9  }
0x198: {  	s14 =	sor.u32 s24, s15;
	v16 =	vadd.f32 v18, v24;
	v18 =	vmul.f32 v22, v4;
	v22 =	vld [tilespmem:s9+$0x0];
	s9 =	sor.u32 s26, s15;
	[tilespmem:s22+$0x380] =	vst v17;
	s22 =	smov.u32 s23  }
0x199: {  	s23 =	smov.u32 s29;
	s29 =	smov.u32 s11;
	v17 =	vld [tilespmem:s9+$0x0]  }
0x19a: {  	v24 =	vmul.f32 v25, v12;
	v23 =	vld [tilespmem:s7+$0x0];
	v25 =	vmul.f32 v26, v13;
	[tilespmem:s29+$0x100] =	vst v16;
	v16 =	vadd.f32 v18, v20  }
0x19b: {  	s5 =	sand.u32 $0x3FFFFC00, s5;
	v18 =	vld [tilespmem:s7+$0x80]  }
0x19c: {  	s5 =	sadd.s32 $0x16000, s5;
	v19 =	vmul.f32 v19, v8;
	v20 =	vadd.f32 v25, v24;
	v24 =	vld [tilespmem:s2+$0x0];
	v21 =	vmul.f32 v21, v9;
	[tilespmem:s23+$0x280] =	vst v16  }
0x19d: {  	s11 =	sor.u32 s19, s5;
	s5 =	sor.u32 s12, s5;
	s2 =	sadd.s32 $0xB000, s18;
	v16 =	vld [tilespmem:s13+$0x0]  }
0x19e: {  	s7 =	sadd.s32 $0xB080, s18;
	s9 =	sor.u32 s19, s2;
	s2 =	sor.u32 s12, s2;
	[tilespmem:s5+$0x0] =	vst v20;
	v19 =	vadd.f32 v21, v19;
	v20 =	vld [tilespmem:s8+$0x0];
	v21 =	vmul.f32 v22, v2;
	v17 =	vmul.f32 v17, v3  }
0x19f: {  	s8 =	sor.u32 s19, s7;
	v22 =	vmul.f32 v23, v12;
	v23 =	vld [tilespmem:s2+$0x0];
	s2 =	sor.u32 s12, s7;
	s7 =	sadd.s32 $0xE000, s31  }
0x1a0: {  	s13 =	sadd.s32 $0xE080, s31;
	v18 =	vmul.f32 v18, v13;
	v25 =	vld [tilespmem:s2+$0x0];
	s2 =	sor.u32 s30, s7;
	[tilespmem:s3+$0x180] =	vst v19;
	s7 =	sor.u32 s0, s7;
	v17 =	vadd.f32 v17, v21  }
0x1a1: {  	s15 =	sor.u32 s30, s13;
	v19 =	vmul.f32 v24, v8;
	v21 =	vld [tilespmem:s7+$0x0];
	s7 =	sor.u32 s0, s13;
	s13 =	sadd.s32 $0x11000, s28  }
0x1a2: {  	s16 =	sadd.s32 $0x11080, s28;
	v18 =	vadd.f32 v18, v22;
	v22 =	vmul.f32 v16, v9;
	v24 =	vld [tilespmem:s7+$0x0];
	s17 =	sor.u32 s24, s13;
	[tilespmem:s25+$0x300] =	vst v17;
	s13 =	sor.u32 s26, s13  }
0x1a3: {  	s7 =	sor.u32 s24, s16;
	s24 =	smov.u32 s30;
	v16 =	vmul.f32 v20, v2;
	v17 =	vld [tilespmem:s13+$0x0];
	s13 =	sor.u32 s26, s16  }
0x1a4: {  	s28 =	smov.u32 s31;
	s31 =	smov.u32 s18;
	s30 =	smov.u32 s19;
	[tilespmem:s11+$0x0] =	vst v18;
	v18 =	vadd.f32 v22, v19;
	v19 =	vld [tilespmem:s13+$0x0]  }
0x1a5: {  	s26 =	smov.u32 s0;
	s0 =	smov.u32 s12;
	v20 =	vld [tilespmem:s9+$0x0]  }
0x1a6: {  	v23 =	vmul.f32 v23, v14;
	v25 =	vmul.f32 v25, v15;
	v22 =	vld [tilespmem:s8+$0x0];
	[tilespmem:s29+$0x180] =	vst v18  }
0x1a7: {  	v26 =	vld [tilespmem:s2+$0x0]  }
0x1a8: {  	v21 =	vmul.f32 v21, v7;
	v23 =	vadd.f32 v25, v23;
	v24 =	vmul.f32 v24, v6;
	v25 =	vld [tilespmem:s15+$0x0]  }
.Ltmp3:
0x1a9: {  	s2 =	sadd.s32 $0xC000, s31;
	v27 =	vmul.f32 v17, v0;
	v18 =	vld [tilespmem:s14+$0x0];
	v19 =	vmul.f32 v19, v1;
	(pc) =	sbr.rel @p0 .LBB2_5-.Ltmp3, $4  }
0x1aa: {  	s8 =	sadd.s32 $0xC080, s31;
	s12 =	sor.u32 s30, s2;
	s2 =	sor.u32 s0, s2;
	v21 =	vadd.f32 v24, v21;
	v28 =	vmul.f32 v20, v14;
	[tilespmem:s5+$0x80] =	vst v23;
	v17 =	vld [tilespmem:s10+$0x0]  }
0x1ab: {  	s9 =	sor.u32 s30, s8;
	v24 =	vmul.f32 v22, v15;
	v22 =	vld [tilespmem:s2+$0x0];
	s2 =	sor.u32 s0, s8;
	s8 =	sadd.s32 $0xF000, s28;
	v27 =	vadd.f32 v19, v27  }
0x1ac: {  	v23 =	vld [tilespmem:s2+$0x0];
	v20 =	vmul.f32 v26, v7;
	s14 =	sor.u32 s24, s8;
	s2 =	sadd.s32 $0xF080, s28;
	[tilespmem:s3+$0x200] =	vst v21;
	s8 =	sor.u32 s26, s8  }
0x1ad: {  	v24 =	vadd.f32 v24, v28;
	v21 =	vmul.f32 v25, v6;
	s16 =	sor.u32 s24, s2;
	v19 =	vld [tilespmem:s8+$0x0];
	s10 =	sor.u32 s26, s2;
	[tilespmem:s25+$0x380] =	vst v27;
	s25 =	smov.u32 s3  }
0x1ae: {  	_ = 	snop  }
0x1af: {  	[tilespmem:s11+$0x80] =	vst v24  }
0x1b0: {  	v12 =	vld [tilespmem:s12+$0x0]  }
0x1b1: {  	v13 =	vld [tilespmem:s9+$0x0];
	_ =	sdelay $0x2  }
0x1b2: {  	v14 =	vmul.f32 v22, v11;
	v15 =	vmul.f32 v23, v10;
	_ =	sdelay $0x1  }
0x1b3: {  	v14 =	vadd.f32 v15, v14;
	v53 =	vmul.f32 v12, v11;
	v54 =	vmul.f32 v13, v10  }
0x1b4: {  	s2 =	sadd.s32 $0xD000, s31  }
0x1b5: {  	s3 =	sadd.s32 $0xD080, s31;
	s4 =	sor.u32 s0, s2;
	[tilespmem:s5+$0x100] =	vst v14;
	v10 =	vadd.f32 v54, v53  }
0x1b6: {  	s12 =	sor.u32 s0, s3;
	v55 =	vld [tilespmem:s4+$0x0]  }
0x1b7: {  	s2 =	sor.u32 s30, s2;
	v56 =	vld [tilespmem:s12+$0x0];
	[tilespmem:s11+$0x100] =	vst v10  }
0x1b8: {  	s3 =	sor.u32 s30, s3;
	v10 =	vld [tilespmem:s2+$0x0]  }
0x1b9: {  	v57 =	vld [tilespmem:s3+$0x0];
	_ =	sdelay $0x2  }
0x1ba: {  	v12 =	vmul.f32 v55, v8;
	v13 =	vmul.f32 v56, v9;
	_ =	sdelay $0x1  }
0x1bb: {  	v12 =	vadd.f32 v13, v12;
	v58 =	vmul.f32 v10, v8;
	v59 =	vmul.f32 v57, v9  }
0x1bc: {  	s13 =	sadd.s32 $0xE000, s31  }
0x1bd: {  	s15 =	sadd.s32 $0xE080, s31;
	s18 =	sor.u32 s0, s13;
	[tilespmem:s5+$0x180] =	vst v12;
	v8 =	vadd.f32 v59, v58  }
0x1be: {  	s19 =	sor.u32 s0, s15;
	v60 =	vld [tilespmem:s18+$0x0]  }
0x1bf: {  	s2 =	sor.u32 s30, s13;
	v61 =	vld [tilespmem:s19+$0x0];
	[tilespmem:s11+$0x180] =	vst v8  }
0x1c0: {  	s3 =	sor.u32 s30, s15;
	v8 =	vld [tilespmem:s2+$0x0]  }
0x1c1: {  	v62 =	vld [tilespmem:s3+$0x0];
	_ =	sdelay $0x2  }
0x1c2: {  	v63 =	vld [tilespmem:s10+$0x0];
	v20 =	vadd.f32 v21, v20;
	v10 =	vmul.f32 v60, v7;
	v11 =	vmul.f32 v61, v6;
	_ =	sdelay $0x1  }
0x1c3: {  	[tilespmem:s29+$0x200] =	vst v20;
	v10 =	vadd.f32 v11, v10;
	v21 =	vmul.f32 v8, v7;
	v22 =	vmul.f32 v62, v6  }
0x1c4: {  	v25 =	vld [tilespmem:s14+$0x0];
	s3 =	sadd.s32 $0xF000, s31  }
0x1c5: {  	s8 =	sadd.s32 $0xF080, s31;
	v28 =	vld [tilespmem:s16+$0x0];
	s9 =	sor.u32 s0, s3;
	[tilespmem:s5+$0x200] =	vst v10;
	v6 =	vadd.f32 v22, v21  }
0x1c6: {  	s10 =	sor.u32 s0, s8;
	v26 =	vmul.f32 v19, v5;
	v27 =	vmul.f32 v63, v4;
	v23 =	vld [tilespmem:s9+$0x0]  }
0x1c7: {  	s2 =	sor.u32 s30, s3;
	v24 =	vld [tilespmem:s10+$0x0];
	[tilespmem:s11+$0x200] =	vst v6  }
0x1c8: {  	v29 =	vadd.f32 v27, v26;
	s3 =	sor.u32 s30, s8;
	v30 =	vld [tilespmem:s2+$0x0]  }
0x1c9: {  	s12 =	sadd.s32 $0x10000, s28;
	v31 =	vld [tilespmem:s3+$0x0]  }
0x1ca: {  	[tilespmem:s25+$0x280] =	vst v29;
	s14 =	sor.u32 s26, s12;
	s13 =	sadd.s32 $0x10080, s28;
	v12 =	vmul.f32 v28, v4;
	v7 =	vmul.f32 v25, v5  }
0x1cb: {  	v34 =	vld [tilespmem:s14+$0x0];
	s15 =	sor.u32 s26, s13  }
0x1cc: {  	v35 =	vld [tilespmem:s15+$0x0];
	v7 =	vadd.f32 v12, v7;
	v32 =	vmul.f32 v23, v5;
	v33 =	vmul.f32 v24, v4;
	_ =	sdelay $0x1  }
0x1cd: {  	[tilespmem:s29+$0x280] =	vst v7;
	s2 =	sor.u32 s24, s12;
	v6 =	vadd.f32 v33, v32;
	v36 =	vmul.f32 v30, v5;
	v37 =	vmul.f32 v31, v4  }
0x1ce: {  	s16 =	sadd.s32 $0x10000, s31;
	s3 =	sor.u32 s24, s13;
	v39 =	vld [tilespmem:s2+$0x0]  }
0x1cf: {  	s18 =	sor.u32 s0, s16;
	s8 =	sadd.s32 $0x10080, s31;
	v42 =	vld [tilespmem:s3+$0x0];
	[tilespmem:s5+$0x280] =	vst v6;
	v4 =	vadd.f32 v37, v36  }
0x1d0: {  	v40 =	vmul.f32 v34, v2;
	v41 =	vmul.f32 v35, v3;
	s19 =	sor.u32 s0, s8;
	v6 =	vld [tilespmem:s18+$0x0]  }
0x1d1: {  	s9 =	sor.u32 s30, s16;
	v38 =	vld [tilespmem:s19+$0x0];
	[tilespmem:s11+$0x280] =	vst v4  }
0x1d2: {  	v43 =	vmul.f32 v18, v3;
	v8 =	vadd.f32 v41, v40;
	s10 =	sor.u32 s30, s8;
	v44 =	vld [tilespmem:s9+$0x0]  }
0x1d3: {  	s12 =	sadd.s32 $0x11000, s28;
	v45 =	vld [tilespmem:s10+$0x0]  }
0x1d4: {  	v46 =	vld [tilespmem:s1+$0x0];
	[tilespmem:s25+$0x300] =	vst v8;
	s13 =	sadd.s32 $0x11080, s28;
	s14 =	sor.u32 s26, s12;
	v47 =	vmul.f32 v39, v2;
	v10 =	vmul.f32 v42, v3;
	v4 =	vadd.f32 v43, v16  }
0x1d5: {  	s15 =	sor.u32 s26, s13;
	v8 =	vld [tilespmem:s14+$0x0]  }
0x1d6: {  	v48 =	vld [tilespmem:s15+$0x0];
	v6 =	vmul.f32 v6, v2;
	v7 =	vmul.f32 v38, v3;
	[tilespmem:s23+$0x300] =	vst v4;
	v4 =	vadd.f32 v10, v47  }
0x1d7: {  	v49 =	vld [tilespmem:s17+$0x0]  }
0x1d8: {  	s2 =	sor.u32 s24, s12;
	v50 =	vld [tilespmem:s7+$0x0];
	v6 =	vadd.f32 v7, v6;
	[tilespmem:s29+$0x300] =	vst v4;
	v51 =	vmul.f32 v44, v2;
	v52 =	vmul.f32 v45, v3  }
0x1d9: {  	s16 =	sadd.s32 $0x11000, s31;
	s24 =	sor.u32 s24, s13;
	v54 =	vld [tilespmem:s2+$0x0]  }
0x1da: {  	s18 =	sor.u32 s0, s16;
	s17 =	sadd.s32 $0x11080, s31;
	v55 =	vld [tilespmem:s24+$0x0];
	[tilespmem:s5+$0x300] =	vst v6;
	v2 =	vadd.f32 v52, v51  }
0x1db: {  	s19 =	sor.u32 s0, s17;
	v6 =	vld [tilespmem:s18+$0x0]  }
0x1dc: {  	s26 =	sor.u32 s30, s16;
	v53 =	vld [tilespmem:s19+$0x0];
	[tilespmem:s11+$0x300] =	vst v2  }
0x1dd: {  	s28 =	sor.u32 s30, s17;
	v2 =	vld [tilespmem:s26+$0x0]  }
0x1de: {  	v8 =	vmul.f32 v8, v0;
	v5 =	vmul.f32 v48, v1;
	v58 =	vld [tilespmem:s28+$0x0]  }
0x1df: {  	v56 =	vmul.f32 v17, v0;
	v57 =	vmul.f32 v46, v1  }
0x1e0: {  	v5 =	vadd.f32 v5, v8;
	v7 =	vmul.f32 v49, v0;
	v59 =	vmul.f32 v50, v1  }
0x1e1: {  	v10 =	vadd.f32 v57, v56;
	v3 =	vmul.f32 v54, v0;
	v60 =	vmul.f32 v55, v1  }
0x1e2: {  	[tilespmem:s25+$0x380] =	vst v5;
	v7 =	vadd.f32 v59, v7;
	v6 =	vmul.f32 v6, v0;
	v4 =	vmul.f32 v53, v1  }
0x1e3: {  	[tilespmem:s22+$0x380] =	vst v10;
	v63 =	vadd.f32 v60, v3;
	v61 =	vmul.f32 v2, v0;
	v62 =	vmul.f32 v58, v1  }
.Ltmp4:
0x1e4: {  	[tilespmem:s23+$0x380] =	vst v7;
	v4 =	vadd.f32 v4, v6;
	(pc) =	sbr.rel @p1 .LBB2_8-.Ltmp4, $4  }
0x1e5: {  	[tilespmem:s29+$0x380] =	vst v63;
	v0 =	vadd.f32 v62, v61  }
0x1e6: {  	s30 =	sshll.u32 s21, $0xB;
	[tilespmem:s5+$0x380] =	vst v4  }
0x1e7: {  	s31 =	simm.s32 $0x16000;
	s0 =	sadd.s32 s30, s6;
	s2 =	simm.s32 $0x0;
	[tilespmem:s11+$0x380] =	vst v0  }
0x1e8: {  	[hbm4b:s0+s2] =	stream.linear.scatter [tilespmem:s31], [sflag:$0x4], $0x4000, $0x38;
	[tilespmem:$0x1A000] =	vst v63  }
.Ltmp5:
0x1e9: {  	(pc) =	sbr.rel .LBB2_2-.Ltmp5, $4  }
0x1ea: {  	_ = 	snop  }
0x1eb: {  	s0 =	sshll.u32 s20, $0xD;
	s1 =	rddreg [dreg:$0x9]  }
0x1ec: {  	s31 =	simm.s32 $0xA000;
	s20 =	sadd.s32 $0x1, s20;
	s0 =	sadd.s32 s1, s0  }
0x1ed: {  	[tilespmem:s31], [sflag:$0x2] =	stream.linear.gather [hbm4b:s0+s2], $0x8000, $0x38;
	[tilespmem:$0x1A000] =	vst v63  }
.LBB2_9:
0x1ee: {  	_ =	sfence.sel $0x180000  }
0x1ef: {  	[bflag:$0x0] =	sbarrier.arrive $0xFFFF  }
0x1f0: {  	_ =	strace $0x90000047  }
0x1f1: {  	s0 =	stileid.u32;
	[bflag:$0x2] =	sbarrier.arrive $0xFFFF  }
0x1f2: {  	p0 =	sne.s32 s0, $0x0;
	s0 =	rddreg [dreg:$0x3]  }
0x1f3: {  	s0 =	sadd.s32 @!p0 $0x100000, s0  }
0x1f4: {  	[sflag:s0] =	ssyncadd.tile.s32 @!p0 $0x1;
	_ =	shalt  }
.Lfunc_end2:
_tile_overlayer_lowered:
.L_overlay_start_2:
0x1f5: {  	(tag) =	ssettag $0x2  }
0x1f6: {  	s0 =	rddreg [dreg:$0x0];
	s2 =	stileid.u32  }
0x1f7: {  	s1 =	rddreg [dreg:$0x1];
	p0 =	sne.s32 s2, $0x0  }
0x1f8: {  	s3 =	rddreg [dreg:$0x2];
	[bflag:$0x3] =	sbarrier.arrive $0xFFFF;
	s2 =	simm.s32 @!p0 $0x1C05  }
0x1f9: {  	[timem:s3], [sflag:s2] =	dma.local @!p0 [hbm:s0], s1  }
0x1fa: {  	s0 =	simm.s32 @!p0 $0x5  }
0x1fb: {  	_ =	swait.ge @!p0 [sflag:s0], s1  }
0x1fc: {  	s1 =	ssub.s32 @!p0 $0x0, s1;
	[sflag:s0] =	ssyncset.done @!p0 $0x0  }
0x1fd: {  	[sflag:s0] =	ssyncadd.s32 @!p0 s1  }
0x1fe: {  	[bflag:$0x3] =	sbarrier.arrive $0xFFFF  }
0x1ff: {  	_ =	shalt  }

</sc_bundles>
